<compile_context>
chip_gen: v7x
topology: tpu7x:2x2x1
jax: 0.10.2.dev20260603
libtpu: 0.0.44.dev20260713+nightly
codegen_flags: <defaults>
</compile_context>

<pallas_src>
import functools
import math

import jax
import jax.numpy as jnp
from jax import lax
from jax.experimental import pallas as pl
from jax.experimental.pallas import tpu as pltpu
from jax.experimental.pallas import tpu_sc as plsc

B, L, K, D = 4, 196, 1024, 256
N = B * L
DECAY = 0.99
EPS = 1e-05

TILE = N
NTILE = N // TILE

NC, NS = 2, 16
LANES = 16
COLS = 16
TPC = D // COLS
NGRP = NC * NS // TPC
NPAD = 800
NTOK_GRP = NPAD // NGRP
KPAD = K + 8


def _bf16_dot(a, b):
    return lax.dot_general(a, b, (((1,), (0,)), ((), ())),
                           preferred_element_type=jnp.float32)


def _bf16_dot_t(a, b):
    return lax.dot_general(a, b, (((1,), (1,)), ((), ())),
                           preferred_element_type=jnp.float32)


def _argmin_body(x_ref, cb_ref, idx_ref,
                 cbh_ref, cbm_ref, cbl_ref, cn2_ref):
    cb = cb_ref[...]
    cbh = cb.astype(jnp.bfloat16)
    r1 = cb - cbh.astype(jnp.float32)
    cbm = r1.astype(jnp.bfloat16)
    cbh_ref[...] = cbh
    cbm_ref[...] = cbm
    cbl_ref[...] = (r1 - cbm.astype(jnp.float32)).astype(jnp.bfloat16)
    cn2_ref[...] = jnp.sum(cb * cb, axis=1)[None, :]

    x = x_ref[...]
    xh = x.astype(jnp.bfloat16)
    xm = (x - xh.astype(jnp.float32)).astype(jnp.bfloat16)
    xc = (_bf16_dot_t(xh, cbh_ref[...]) + _bf16_dot_t(xh, cbm_ref[...])
          + _bf16_dot_t(xm, cbh_ref[...]))
    scores = cn2_ref[...] - 2.0 * xc
    iota_k = lax.broadcasted_iota(jnp.int32, (TILE, K), 1)

    rowmin = jnp.min(scores, axis=1, keepdims=True)
    idx1 = jnp.min(jnp.where(scores == rowmin, iota_k, K), axis=1)
    masked = jnp.where(iota_k == idx1[:, None], jnp.inf, scores)
    rowmin2 = jnp.min(masked, axis=1, keepdims=True)
    idx2 = jnp.min(jnp.where(masked == rowmin2, iota_k, K), axis=1)

    def dist(idx):
        enc = (iota_k == idx[:, None]).astype(jnp.bfloat16)
        crow = ((_bf16_dot(enc, cbh_ref[...]) + _bf16_dot(enc, cbm_ref[...]))
                + _bf16_dot(enc, cbl_ref[...]))
        return jnp.sqrt(jnp.sum((x - crow) ** 2, axis=1))

    d1, d2 = dist(idx1), dist(idx2)
    take2 = (d2 < d1) | ((d2 == d1) & (idx2 < idx1))
    idx = jnp.where(take2, idx2, idx1)
    idx_ref[...] = idx[:, None]


def _scatter_body(idx_hbm, x_hbm, dwp_hbm, idx_l, x_l, dw_l):
    cid = lax.axis_index("c")
    sid = lax.axis_index("s")
    wid = sid * NC + cid
    grp = wid // TPC
    tok0 = grp * NTOK_GRP
    col0 = (wid % TPC) * COLS
    nvalid = N - NTOK_GRP

    @pl.when(grp < NGRP - 1)
    def _():
        pltpu.sync_copy(idx_hbm.at[pl.ds(tok0, NTOK_GRP)], idx_l)
        pltpu.sync_copy(x_hbm.at[pl.ds(tok0, NTOK_GRP), pl.ds(col0, COLS)],
                        x_l.at[pl.ds(0, NTOK_GRP)])

    @pl.when(grp == NGRP - 1)
    def _():
        pltpu.sync_copy(idx_hbm.at[pl.ds(tok0, nvalid)],
                        idx_l.at[pl.ds(0, nvalid)])
        pltpu.sync_copy(x_hbm.at[pl.ds(tok0, nvalid), pl.ds(col0, COLS)],
                        x_l.at[pl.ds(0, nvalid)])
        idx_l[pl.ds(nvalid, NTOK_GRP - nvalid)] = jnp.full(
            (NTOK_GRP - nvalid,), K, jnp.int32)

    zero = jnp.zeros((LANES,), jnp.float32)

    def zinit(c, carry):
        base = c * 8
        for j in range(8):
            dw_l[base + j, :] = zero
        return carry

    lax.fori_loop(0, KPAD // 8, zinit, 0)

    def fold(c, carry):
        base = c * LANES
        iv = idx_l[pl.ds(base, LANES)]
        for j in range(LANES):
            k = iv[j]
            plsc.addupdate(dw_l.at[k, :], x_l[base + j, :])
        return carry

    lax.fori_loop(0, NTOK_GRP // LANES, fold, 0)
    pltpu.sync_copy(dw_l, dwp_hbm.at[pl.ds(grp * KPAD, KPAD),
                                     pl.ds(col0, COLS)])


def _update_body(x_ref, idx_ref, dwp_ref, ech_ref, ecc_ref, eh_ref, ec_ref,
                 q_ref, loss_ref):
    x = x_ref[...]
    idx = idx_ref[...]
    iota_k = lax.broadcasted_iota(jnp.int32, (N, K), 1)
    enc = (iota_k == idx).astype(jnp.float32)

    counts = jnp.sum(enc, axis=0)[None, :]
    cc_count_upd = ecc_ref[0, 0] + 1.0
    cc_hidden_upd = ech_ref[...] * DECAY + (1.0 - DECAY) * counts
    cc_avg = cc_hidden_upd / (1.0 - jnp.exp(cc_count_upd * math.log(DECAY)))

    dw = dwp_ref[0:K, :]
    for g in range(1, NGRP):
        dw = dw + dwp_ref[g * KPAD:g * KPAD + K, :]
    e_count_upd = ec_ref[0, 0] + 1.0
    e_hidden_upd = eh_ref[...] * DECAY + (1.0 - DECAY) * dw
    e_avg = e_hidden_upd / (1.0 - jnp.exp(e_count_upd * math.log(DECAY)))

    n_tot = jnp.sum(cc_avg)
    counts_n = (cc_avg + EPS) / (n_tot + K * EPS) * n_tot

    q = lax.dot_general(enc / counts_n, e_avg, (((1,), (0,)), ((), ())),
                        preferred_element_type=jnp.float32)
    q = x + (q - x)
    q_ref[...] = q
    loss_ref[0, 0] = jnp.mean(0.5 * (x - q) ** 2)


@functools.cache
def _sc_scatter():
    return pl.kernel(
        _scatter_body,
        mesh=plsc.VectorSubcoreMesh(core_axis_name="c", subcore_axis_name="s"),
        out_type=jax.ShapeDtypeStruct((NGRP * KPAD, D), jnp.float32),
        scratch_types=[
            pltpu.VMEM((NTOK_GRP,), jnp.int32),
            pltpu.VMEM((NTOK_GRP, COLS), jnp.float32),
            pltpu.VMEM((KPAD, COLS), jnp.float32),
        ],
        name="dw_scatter",
        compiler_params=pltpu.CompilerParams(use_tc_tiling_on_sc=False),
    )


@jax.jit
def kernel(x, codebook, ema_cluster_hidden, ema_cluster_count, ema_hidden,
           ema_count):
    x2 = x.reshape(N, D)

    idx_col = pl.pallas_call(
        _argmin_body,
        out_shape=jax.ShapeDtypeStruct((N, 1), jnp.int32),
        scratch_shapes=[
            pltpu.VMEM((K, D), jnp.bfloat16),
            pltpu.VMEM((K, D), jnp.bfloat16),
            pltpu.VMEM((K, D), jnp.bfloat16),
            pltpu.VMEM((1, K), jnp.float32),
        ],
    )(x2, codebook)

    idx_flat = idx_col.reshape(N)
    dw_parts = _sc_scatter()(idx_flat, x2)

    q, loss = pl.pallas_call(
        _update_body,
        in_specs=[
            pl.BlockSpec(memory_space=pltpu.VMEM),
            pl.BlockSpec(memory_space=pltpu.VMEM),
            pl.BlockSpec(memory_space=pltpu.VMEM),
            pl.BlockSpec(memory_space=pltpu.VMEM),
            pl.BlockSpec(memory_space=pltpu.SMEM),
            pl.BlockSpec(memory_space=pltpu.VMEM),
            pl.BlockSpec(memory_space=pltpu.SMEM),
        ],
        out_specs=(
            pl.BlockSpec(memory_space=pltpu.VMEM),
            pl.BlockSpec(memory_space=pltpu.SMEM),
        ),
        out_shape=(
            jax.ShapeDtypeStruct((N, D), jnp.float32),
            jax.ShapeDtypeStruct((1, 1), jnp.float32),
        ),
    )(x2, idx_col, dw_parts, ema_cluster_hidden.reshape(1, K),
      ema_cluster_count.reshape(1, 1), ema_hidden, ema_count.reshape(1, 1))

    return (q.reshape(B, L, D), loss.reshape(()), idx_flat.reshape(B, L))

# --- scband reference (transcript-rebuilt; emitter-appended) ---
"""Pipeline reference for scband-vector-quantizer-ema-7275674599501 (READ-ONLY COPY).

The authoritative reference and input builder live on the scoring server;
editing this copy changes nothing except your own understanding.
"""

import jax, jax.numpy as jnp
import numpy as np

B, L, K, D = 4, 196, 1024, 256
DECAY = 0.99
EPS = 1e-05


def setup_inputs(seed: int = 0) -> dict:
    key = jax.random.key(seed)
    k1, k2 = jax.random.split(key)
    x = jax.random.normal(k1, (B, L, D), dtype=jnp.float32)
    # default_codebook_init = variance_scaling(scale=1.0, mode='fan_in', distribution='uniform')
    # for shape (K, D): fan_in = D, limit = sqrt(3 * scale / fan_in)
    limit = float(np.sqrt(3.0 / D))
    codebook = jax.random.uniform(k2, (K, D), dtype=jnp.float32, minval=-limit, maxval=limit)
    # EMA buffers ('vq_stats' collection), zero-initialized as in flax nn.initializers.zeros
    ema_cluster_hidden = jnp.zeros((K,), jnp.float32)
    ema_cluster_count = jnp.zeros((), jnp.float32)
    ema_hidden = jnp.zeros((K, D), jnp.float32)
    ema_count = jnp.zeros((), jnp.float32)
    return {
        "x": x,
        "codebook": codebook,
        "ema_cluster_hidden": ema_cluster_hidden,
        "ema_cluster_count": ema_cluster_count,
        "ema_hidden": ema_hidden,
        "ema_count": ema_count,
    }


def reference(x, codebook, ema_cluster_hidden, ema_cluster_count, ema_hidden, ema_count):
    # cdist: ||x[b,l,:] - codebook[k,:]||_2 -> [B, L, K]
    distances = jnp.linalg.norm(x[..., None, :] - codebook[None, None, :, :], ord=2, axis=-1)
    indices = jnp.argmin(distances, axis=-1)
    encodings = jax.nn.one_hot(indices, K, dtype=jnp.float32)

    # train=True branch: EMA updates of cluster counts and dw, then codebook update
    cluster_counts = encodings.sum(axis=(0, 1))
    cc_count_upd = ema_cluster_count + 1.0
    cc_hidden_upd = ema_cluster_hidden * DECAY + (1.0 - DECAY) * cluster_counts
    cc_avg = cc_hidden_upd / (1.0 - DECAY ** cc_count_upd)

    dw = jnp.einsum('bln,bld->nd', encodings, x)
    e_count_upd = ema_count + 1.0
    e_hidden_upd = ema_hidden * DECAY + (1.0 - DECAY) * dw
    e_avg = e_hidden_upd / (1.0 - DECAY ** e_count_upd)

    N = jnp.sum(cc_avg)
    cluster_counts_n = (cc_avg + EPS) / (N + K * EPS) * N
    codebook_new = e_avg / cluster_counts_n[:, None]

    quantized = jnp.dot(encodings, codebook_new)
    quantized = x + jax.lax.stop_gradient(quantized - x)
    # optax.l2_loss(x, quantized) = 0.5 * (x - quantized)**2
    codebook_loss = (0.5 * (x - quantized) ** 2).mean()
    return (quantized, codebook_loss, indices)

if __name__ == "__main__":
    import jax
    _d = setup_inputs()
    print(jax.jit(kernel)(*tuple(_d.values())))

</pallas_src>

<mosaic_0001>
#map = affine_map<(d0, d1) -> (0)>
#map1 = affine_map<(d0, d1) -> (0, 0)>
module attributes {stable_mosaic.version = 14 : i64} {
  func.func @dw_scatter(%arg0: i32, %arg1: i32, %arg2: memref<784xi32, #tpu.memory_space<hbm>>, %arg3: memref<784x256xf32, #tpu.memory_space<hbm>>, %arg4: memref<2064x256xf32, #tpu.memory_space<hbm>>, %arg5: memref<400xi32, #tpu.memory_space<vmem>>, %arg6: memref<400x16xf32, #tpu.memory_space<vmem>>, %arg7: memref<1032x16xf32, #tpu.memory_space<vmem>>) attributes {dimension_semantics = [#tpu.dimension_semantics<core_parallel>, #tpu.dimension_semantics<subcore_parallel>], iteration_bounds = array<i64: 2, 16>, scalar_prefetch = 0 : i64, scratch_operands = 3 : i64, tpu.core_type = #tpu.core_type<sc_vector_subcore>, window_params = [{transform_indices = #map}, {transform_indices = #map1}, {transform_indices = #map1}]} {
    %mul3A = arith.constant 2 : i32
    %mul3A_0 = arith.muli %arg1, %mul3A : i32
    %add3A = arith.addi %mul3A_0, %arg0 : i32
    %jit3A = arith.constant 16 : i32
    %div3A = arith.divsi %add3A, %jit3A : i32
    %sign3A = arith.constant 0 : i32
    %sign3A_1 = arith.cmpi sgt, %add3A, %sign3A : i32
    %sign3A_2 = arith.extui %sign3A_1 : i1 to i32
    %sign3A_3 = arith.constant 0 : i32
    %sign3A_4 = arith.cmpi slt, %add3A, %sign3A_3 : i32
    %sign3A_5 = arith.extui %sign3A_4 : i1 to i32
    %sign3A_6 = arith.subi %sign3A_2, %sign3A_5 : i32
    %sign3A_7 = arith.constant 0 : i32
    %sign3A_8 = arith.cmpi sgt, %jit3A, %sign3A_7 : i32
    %sign3A_9 = arith.extui %sign3A_8 : i1 to i32
    %sign3A_10 = arith.constant 0 : i32
    %sign3A_11 = arith.cmpi slt, %jit3A, %sign3A_10 : i32
    %sign3A_12 = arith.extui %sign3A_11 : i1 to i32
    %sign3A_13 = arith.subi %sign3A_9, %sign3A_12 : i32
    %ne3A = arith.cmpi ne, %sign3A_6, %sign3A_13 : i32
    %rem3A = arith.remsi %add3A, %jit3A : i32
    %ne3A_14 = arith.constant 0 : i32
    %ne3A_15 = arith.cmpi ne, %rem3A, %ne3A_14 : i32
    %and3A = arith.andi %ne3A, %ne3A_15 : i1
    %sub3A = arith.constant 1 : i32
    %sub3A_16 = arith.subi %div3A, %sub3A : i32
    %select_n3A = arith.select %and3A, %sub3A_16, %div3A : i32
    %mul3A_17 = arith.constant 400 : i32
    %mul3A_18 = arith.muli %select_n3A, %mul3A_17 : i32
    %jit3A_19 = arith.constant 16 : i32
    %eq3A = arith.constant 0 : i32
    %eq3A_20 = arith.cmpi eq, %jit3A_19, %eq3A : i32
    %jit3A_21 = arith.constant 1 : i32
    %select_n3A_22 = arith.select %eq3A_20, %jit3A_21, %jit3A_19 : i32
    %rem3A_23 = arith.remsi %add3A, %select_n3A_22 : i32
    %ne3A_24 = arith.constant 0 : i32
    %ne3A_25 = arith.cmpi ne, %rem3A_23, %ne3A_24 : i32
    %lt3A = arith.constant 0 : i32
    %lt3A_26 = arith.cmpi slt, %rem3A_23, %lt3A : i32
    %lt3A_27 = arith.constant 0 : i32
    %lt3A_28 = arith.cmpi slt, %select_n3A_22, %lt3A_27 : i32
    %ne3A_29 = arith.xori %lt3A_26, %lt3A_28 : i1
    %and3A_30 = arith.andi %ne3A_29, %ne3A_25 : i1
    %add3A_31 = arith.addi %rem3A_23, %select_n3A_22 : i32
    %select_n3A_32 = arith.select %and3A_30, %add3A_31, %rem3A_23 : i32
    %mul3A_33 = arith.constant 16 : i32
    %mul3A_34 = arith.muli %select_n3A_32, %mul3A_33 : i32
    %lt3A_35 = arith.constant 1 : i32
    %lt3A_36 = arith.cmpi slt, %select_n3A, %lt3A_35 : i32
    %convert_element_type3A = arith.extui %lt3A_36 : i1 to i32
    %cond3A = arith.constant 0 : i32
    %cond3A_37 = arith.cmpi ne, %convert_element_type3A, %cond3A : i32
    scf.if %cond3A_37 {
      "tpu.region"() ({
        %run_scoped3A = tpu.sem_alloc : memref<!tpu.dma_semaphore, #tpu.memory_space<semaphore_mem>>
        %dma_start3A = tpu.memref_slice %arg2[%mul3A_18] : memref<784xi32, #tpu.memory_space<hbm>> -> memref<400xi32, #tpu.memory_space<hbm>>
        %dma_start3A_57 = tpu.memref_slice %arg2[%mul3A_18] : memref<784xi32, #tpu.memory_space<hbm>> -> memref<400xi32, #tpu.memory_space<hbm>>
        tpu.enqueue_dma source(%dma_start3A_57 : memref<400xi32, #tpu.memory_space<hbm>>) target(%arg5 : memref<400xi32, #tpu.memory_space<vmem>>) target_semaphore(%run_scoped3A : memref<!tpu.dma_semaphore, #tpu.memory_space<semaphore_mem>>)
        %dma_wait3A = tpu.memref_slice %arg2[%mul3A_18] : memref<784xi32, #tpu.memory_space<hbm>> -> memref<400xi32, #tpu.memory_space<hbm>>
        %dma_wait3A_58 = tpu.memref_slice %arg2[%mul3A_18] : memref<784xi32, #tpu.memory_space<hbm>> -> memref<400xi32, #tpu.memory_space<hbm>>
        tpu.wait_dma2 semaphore(%run_scoped3A : memref<!tpu.dma_semaphore, #tpu.memory_space<semaphore_mem>>) src(%dma_wait3A_58 : memref<400xi32, #tpu.memory_space<hbm>>) dst(%arg5 : memref<400xi32, #tpu.memory_space<vmem>>)
        tpu.yield
      }) : () -> ()
      "tpu.region"() ({
        %run_scoped3A = tpu.sem_alloc : memref<!tpu.dma_semaphore, #tpu.memory_space<semaphore_mem>>
        %dma_start3A = arith.constant 0 : i32
        %dma_start3A_57 = arith.constant 0 : i32
        %dma_start3A_58 = tpu.memref_slice %arg6[%dma_start3A, %dma_start3A_57] : memref<400x16xf32, #tpu.memory_space<vmem>> -> memref<400x16xf32, #tpu.memory_space<vmem>>
        %dma_start3A_59 = tpu.memref_slice %arg3[%mul3A_18, %mul3A_34] : memref<784x256xf32, #tpu.memory_space<hbm>> -> memref<400x16xf32, #tpu.memory_space<hbm>>
        %dma_start3A_60 = arith.constant 0 : i32
        %dma_start3A_61 = arith.constant 0 : i32
        %dma_start3A_62 = tpu.memref_slice %arg6[%dma_start3A_60, %dma_start3A_61] : memref<400x16xf32, #tpu.memory_space<vmem>> -> memref<400x16xf32, #tpu.memory_space<vmem>>
        %dma_start3A_63 = tpu.memref_slice %arg3[%mul3A_18, %mul3A_34] : memref<784x256xf32, #tpu.memory_space<hbm>> -> memref<400x16xf32, #tpu.memory_space<hbm>>
        tpu.enqueue_dma source(%dma_start3A_63 : memref<400x16xf32, #tpu.memory_space<hbm>>) target(%dma_start3A_62 : memref<400x16xf32, #tpu.memory_space<vmem>>) target_semaphore(%run_scoped3A : memref<!tpu.dma_semaphore, #tpu.memory_space<semaphore_mem>>)
        %dma_wait3A = arith.constant 0 : i32
        %dma_wait3A_64 = arith.constant 0 : i32
        %dma_wait3A_65 = tpu.memref_slice %arg6[%dma_wait3A, %dma_wait3A_64] : memref<400x16xf32, #tpu.memory_space<vmem>> -> memref<400x16xf32, #tpu.memory_space<vmem>>
        %dma_wait3A_66 = tpu.memref_slice %arg3[%mul3A_18, %mul3A_34] : memref<784x256xf32, #tpu.memory_space<hbm>> -> memref<400x16xf32, #tpu.memory_space<hbm>>
        %dma_wait3A_67 = arith.constant 0 : i32
        %dma_wait3A_68 = arith.constant 0 : i32
        %dma_wait3A_69 = tpu.memref_slice %arg6[%dma_wait3A_67, %dma_wait3A_68] : memref<400x16xf32, #tpu.memory_space<vmem>> -> memref<400x16xf32, #tpu.memory_space<vmem>>
        %dma_wait3A_70 = tpu.memref_slice %arg3[%mul3A_18, %mul3A_34] : memref<784x256xf32, #tpu.memory_space<hbm>> -> memref<400x16xf32, #tpu.memory_space<hbm>>
        tpu.wait_dma2 semaphore(%run_scoped3A : memref<!tpu.dma_semaphore, #tpu.memory_space<semaphore_mem>>) src(%dma_wait3A_70 : memref<400x16xf32, #tpu.memory_space<hbm>>) dst(%dma_wait3A_69 : memref<400x16xf32, #tpu.memory_space<vmem>>)
        tpu.yield
      }) : () -> ()
    } else {
    }
    %eq3A_38 = arith.constant 1 : i32
    %eq3A_39 = arith.cmpi eq, %select_n3A, %eq3A_38 : i32
    %convert_element_type3A_40 = arith.extui %eq3A_39 : i1 to i32
    %cond3A_41 = arith.constant 0 : i32
    %cond3A_42 = arith.cmpi ne, %convert_element_type3A_40, %cond3A_41 : i32
    scf.if %cond3A_42 {
      "tpu.region"() ({
        %run_scoped3A = tpu.sem_alloc : memref<!tpu.dma_semaphore, #tpu.memory_space<semaphore_mem>>
        %dma_start3A = arith.constant 0 : i32
        %dma_start3A_62 = tpu.memref_slice %arg5[%dma_start3A] : memref<400xi32, #tpu.memory_space<vmem>> -> memref<384xi32, #tpu.memory_space<vmem>>
        %dma_start3A_63 = tpu.memref_slice %arg2[%mul3A_18] : memref<784xi32, #tpu.memory_space<hbm>> -> memref<384xi32, #tpu.memory_space<hbm>>
        %dma_start3A_64 = arith.constant 0 : i32
        %dma_start3A_65 = tpu.memref_slice %arg5[%dma_start3A_64] : memref<400xi32, #tpu.memory_space<vmem>> -> memref<384xi32, #tpu.memory_space<vmem>>
        %dma_start3A_66 = tpu.memref_slice %arg2[%mul3A_18] : memref<784xi32, #tpu.memory_space<hbm>> -> memref<384xi32, #tpu.memory_space<hbm>>
        tpu.enqueue_dma source(%dma_start3A_66 : memref<384xi32, #tpu.memory_space<hbm>>) target(%dma_start3A_65 : memref<384xi32, #tpu.memory_space<vmem>>) target_semaphore(%run_scoped3A : memref<!tpu.dma_semaphore, #tpu.memory_space<semaphore_mem>>)
        %dma_wait3A = arith.constant 0 : i32
        %dma_wait3A_67 = tpu.memref_slice %arg5[%dma_wait3A] : memref<400xi32, #tpu.memory_space<vmem>> -> memref<384xi32, #tpu.memory_space<vmem>>
        %dma_wait3A_68 = tpu.memref_slice %arg2[%mul3A_18] : memref<784xi32, #tpu.memory_space<hbm>> -> memref<384xi32, #tpu.memory_space<hbm>>
        %dma_wait3A_69 = arith.constant 0 : i32
        %dma_wait3A_70 = tpu.memref_slice %arg5[%dma_wait3A_69] : memref<400xi32, #tpu.memory_space<vmem>> -> memref<384xi32, #tpu.memory_space<vmem>>
        %dma_wait3A_71 = tpu.memref_slice %arg2[%mul3A_18] : memref<784xi32, #tpu.memory_space<hbm>> -> memref<384xi32, #tpu.memory_space<hbm>>
        tpu.wait_dma2 semaphore(%run_scoped3A : memref<!tpu.dma_semaphore, #tpu.memory_space<semaphore_mem>>) src(%dma_wait3A_71 : memref<384xi32, #tpu.memory_space<hbm>>) dst(%dma_wait3A_70 : memref<384xi32, #tpu.memory_space<vmem>>)
        tpu.yield
      }) : () -> ()
      "tpu.region"() ({
        %run_scoped3A = tpu.sem_alloc : memref<!tpu.dma_semaphore, #tpu.memory_space<semaphore_mem>>
        %dma_start3A = arith.constant 0 : i32
        %dma_start3A_62 = arith.constant 0 : i32
        %dma_start3A_63 = tpu.memref_slice %arg6[%dma_start3A, %dma_start3A_62] : memref<400x16xf32, #tpu.memory_space<vmem>> -> memref<384x16xf32, #tpu.memory_space<vmem>>
        %dma_start3A_64 = tpu.memref_slice %arg3[%mul3A_18, %mul3A_34] : memref<784x256xf32, #tpu.memory_space<hbm>> -> memref<384x16xf32, #tpu.memory_space<hbm>>
        %dma_start3A_65 = arith.constant 0 : i32
        %dma_start3A_66 = arith.constant 0 : i32
        %dma_start3A_67 = tpu.memref_slice %arg6[%dma_start3A_65, %dma_start3A_66] : memref<400x16xf32, #tpu.memory_space<vmem>> -> memref<384x16xf32, #tpu.memory_space<vmem>>
        %dma_start3A_68 = tpu.memref_slice %arg3[%mul3A_18, %mul3A_34] : memref<784x256xf32, #tpu.memory_space<hbm>> -> memref<384x16xf32, #tpu.memory_space<hbm>>
        tpu.enqueue_dma source(%dma_start3A_68 : memref<384x16xf32, #tpu.memory_space<hbm>>) target(%dma_start3A_67 : memref<384x16xf32, #tpu.memory_space<vmem>>) target_semaphore(%run_scoped3A : memref<!tpu.dma_semaphore, #tpu.memory_space<semaphore_mem>>)
        %dma_wait3A = arith.constant 0 : i32
        %dma_wait3A_69 = arith.constant 0 : i32
        %dma_wait3A_70 = tpu.memref_slice %arg6[%dma_wait3A, %dma_wait3A_69] : memref<400x16xf32, #tpu.memory_space<vmem>> -> memref<384x16xf32, #tpu.memory_space<vmem>>
        %dma_wait3A_71 = tpu.memref_slice %arg3[%mul3A_18, %mul3A_34] : memref<784x256xf32, #tpu.memory_space<hbm>> -> memref<384x16xf32, #tpu.memory_space<hbm>>
        %dma_wait3A_72 = arith.constant 0 : i32
        %dma_wait3A_73 = arith.constant 0 : i32
        %dma_wait3A_74 = tpu.memref_slice %arg6[%dma_wait3A_72, %dma_wait3A_73] : memref<400x16xf32, #tpu.memory_space<vmem>> -> memref<384x16xf32, #tpu.memory_space<vmem>>
        %dma_wait3A_75 = tpu.memref_slice %arg3[%mul3A_18, %mul3A_34] : memref<784x256xf32, #tpu.memory_space<hbm>> -> memref<384x16xf32, #tpu.memory_space<hbm>>
        tpu.wait_dma2 semaphore(%run_scoped3A : memref<!tpu.dma_semaphore, #tpu.memory_space<semaphore_mem>>) src(%dma_wait3A_75 : memref<384x16xf32, #tpu.memory_space<hbm>>) dst(%dma_wait3A_74 : memref<384x16xf32, #tpu.memory_space<vmem>>)
        tpu.yield
      }) : () -> ()
      %broadcast_in_dim3A_57 = arith.constant 1024 : i32
      %broadcast_in_dim3A_58 = vector.broadcast %broadcast_in_dim3A_57 : i32 to vector<16xi32>
      %swap3A = arith.constant 384 : index
      %swap3A_59 = tpu.vector_load %arg5[%swap3A] {strides = array<i32>} : memref<400xi32, #tpu.memory_space<vmem>>, vector<16xi32>,
      %swap3A_60 = vector.shape_cast %swap3A_59 : vector<16xi32> to vector<16xi32>
      %swap3A_61 = vector.shape_cast %broadcast_in_dim3A_58 : vector<16xi32> to vector<16xi32>
      tpu.vector_store %arg5[%swap3A], %swap3A_61 {strides = array<i32>} : memref<400xi32, #tpu.memory_space<vmem>>, vector<16xi32>,
    } else {
    }
    %broadcast_in_dim3A = arith.constant 0.000000e+00 : f32
    %broadcast_in_dim3A_43 = vector.broadcast %broadcast_in_dim3A : f32 to vector<16xf32>
    %scan3A = arith.constant 0 : i32
    %scan3A_44 = arith.constant 0 : i32
    %scan3A_45 = arith.constant 129 : i32
    %scan3A_46 = arith.addi %scan3A_44, %scan3A_45 : i32
    %scan3A_47 = arith.constant 1 : i32
    scf.for %scan3A_57 = %scan3A_44 to %scan3A_46 step %scan3A_47  : i32 {
      %mul3A_58 = arith.constant 8 : i32
      %mul3A_59 = arith.muli %scan3A_57, %mul3A_58 : i32
      %add3A_60 = arith.constant 0 : i32
      %add3A_61 = arith.addi %mul3A_59, %add3A_60 : i32
      %swap3A = arith.index_cast %add3A_61 : i32 to index
      %swap3A_62 = arith.constant 0 : index
      %swap3A_63 = tpu.vector_load %arg7[%swap3A, %swap3A_62] {strides = array<i32>} : memref<1032x16xf32, #tpu.memory_space<vmem>>, vector<1x16xf32>,
      %swap3A_64 = vector.shape_cast %swap3A_63 : vector<1x16xf32> to vector<16xf32>
      %swap3A_65 = vector.shape_cast %broadcast_in_dim3A_43 : vector<16xf32> to vector<1x16xf32>
      tpu.vector_store %arg7[%swap3A, %swap3A_62], %swap3A_65 {strides = array<i32>} : memref<1032x16xf32, #tpu.memory_space<vmem>>, vector<1x16xf32>,
      %add3A_66 = arith.constant 1 : i32
      %add3A_67 = arith.addi %mul3A_59, %add3A_66 : i32
      %swap3A_68 = arith.index_cast %add3A_67 : i32 to index
      %swap3A_69 = arith.constant 0 : index
      %swap3A_70 = tpu.vector_load %arg7[%swap3A_68, %swap3A_69] {strides = array<i32>} : memref<1032x16xf32, #tpu.memory_space<vmem>>, vector<1x16xf32>,
      %swap3A_71 = vector.shape_cast %swap3A_70 : vector<1x16xf32> to vector<16xf32>
      %swap3A_72 = vector.shape_cast %broadcast_in_dim3A_43 : vector<16xf32> to vector<1x16xf32>
      tpu.vector_store %arg7[%swap3A_68, %swap3A_69], %swap3A_72 {strides = array<i32>} : memref<1032x16xf32, #tpu.memory_space<vmem>>, vector<1x16xf32>,
      %add3A_73 = arith.constant 2 : i32
      %add3A_74 = arith.addi %mul3A_59, %add3A_73 : i32
      %swap3A_75 = arith.index_cast %add3A_74 : i32 to index
      %swap3A_76 = arith.constant 0 : index
      %swap3A_77 = tpu.vector_load %arg7[%swap3A_75, %swap3A_76] {strides = array<i32>} : memref<1032x16xf32, #tpu.memory_space<vmem>>, vector<1x16xf32>,
      %swap3A_78 = vector.shape_cast %swap3A_77 : vector<1x16xf32> to vector<16xf32>
      %swap3A_79 = vector.shape_cast %broadcast_in_dim3A_43 : vector<16xf32> to vector<1x16xf32>
      tpu.vector_store %arg7[%swap3A_75, %swap3A_76], %swap3A_79 {strides = array<i32>} : memref<1032x16xf32, #tpu.memory_space<vmem>>, vector<1x16xf32>,
      %add3A_80 = arith.constant 3 : i32
      %add3A_81 = arith.addi %mul3A_59, %add3A_80 : i32
      %swap3A_82 = arith.index_cast %add3A_81 : i32 to index
      %swap3A_83 = arith.constant 0 : index
      %swap3A_84 = tpu.vector_load %arg7[%swap3A_82, %swap3A_83] {strides = array<i32>} : memref<1032x16xf32, #tpu.memory_space<vmem>>, vector<1x16xf32>,
      %swap3A_85 = vector.shape_cast %swap3A_84 : vector<1x16xf32> to vector<16xf32>
      %swap3A_86 = vector.shape_cast %broadcast_in_dim3A_43 : vector<16xf32> to vector<1x16xf32>
      tpu.vector_store %arg7[%swap3A_82, %swap3A_83], %swap3A_86 {strides = array<i32>} : memref<1032x16xf32, #tpu.memory_space<vmem>>, vector<1x16xf32>,
      %add3A_87 = arith.constant 4 : i32
      %add3A_88 = arith.addi %mul3A_59, %add3A_87 : i32
      %swap3A_89 = arith.index_cast %add3A_88 : i32 to index
      %swap3A_90 = arith.constant 0 : index
      %swap3A_91 = tpu.vector_load %arg7[%swap3A_89, %swap3A_90] {strides = array<i32>} : memref<1032x16xf32, #tpu.memory_space<vmem>>, vector<1x16xf32>,
      %swap3A_92 = vector.shape_cast %swap3A_91 : vector<1x16xf32> to vector<16xf32>
      %swap3A_93 = vector.shape_cast %broadcast_in_dim3A_43 : vector<16xf32> to vector<1x16xf32>
      tpu.vector_store %arg7[%swap3A_89, %swap3A_90], %swap3A_93 {strides = array<i32>} : memref<1032x16xf32, #tpu.memory_space<vmem>>, vector<1x16xf32>,
      %add3A_94 = arith.constant 5 : i32
      %add3A_95 = arith.addi %mul3A_59, %add3A_94 : i32
      %swap3A_96 = arith.index_cast %add3A_95 : i32 to index
      %swap3A_97 = arith.constant 0 : index
      %swap3A_98 = tpu.vector_load %arg7[%swap3A_96, %swap3A_97] {strides = array<i32>} : memref<1032x16xf32, #tpu.memory_space<vmem>>, vector<1x16xf32>,
      %swap3A_99 = vector.shape_cast %swap3A_98 : vector<1x16xf32> to vector<16xf32>
      %swap3A_100 = vector.shape_cast %broadcast_in_dim3A_43 : vector<16xf32> to vector<1x16xf32>
      tpu.vector_store %arg7[%swap3A_96, %swap3A_97], %swap3A_100 {strides = array<i32>} : memref<1032x16xf32, #tpu.memory_space<vmem>>, vector<1x16xf32>,
      %add3A_101 = arith.constant 6 : i32
      %add3A_102 = arith.addi %mul3A_59, %add3A_101 : i32
      %swap3A_103 = arith.index_cast %add3A_102 : i32 to index
      %swap3A_104 = arith.constant 0 : index
      %swap3A_105 = tpu.vector_load %arg7[%swap3A_103, %swap3A_104] {strides = array<i32>} : memref<1032x16xf32, #tpu.memory_space<vmem>>, vector<1x16xf32>,
      %swap3A_106 = vector.shape_cast %swap3A_105 : vector<1x16xf32> to vector<16xf32>
      %swap3A_107 = vector.shape_cast %broadcast_in_dim3A_43 : vector<16xf32> to vector<1x16xf32>
      tpu.vector_store %arg7[%swap3A_103, %swap3A_104], %swap3A_107 {strides = array<i32>} : memref<1032x16xf32, #tpu.memory_space<vmem>>, vector<1x16xf32>,
      %add3A_108 = arith.constant 7 : i32
      %add3A_109 = arith.addi %mul3A_59, %add3A_108 : i32
      %swap3A_110 = arith.index_cast %add3A_109 : i32 to index
      %swap3A_111 = arith.constant 0 : index
      %swap3A_112 = tpu.vector_load %arg7[%swap3A_110, %swap3A_111] {strides = array<i32>} : memref<1032x16xf32, #tpu.memory_space<vmem>>, vector<1x16xf32>,
      %swap3A_113 = vector.shape_cast %swap3A_112 : vector<1x16xf32> to vector<16xf32>
      %swap3A_114 = vector.shape_cast %broadcast_in_dim3A_43 : vector<16xf32> to vector<1x16xf32>
      tpu.vector_store %arg7[%swap3A_110, %swap3A_111], %swap3A_114 {strides = array<i32>} : memref<1032x16xf32, #tpu.memory_space<vmem>>, vector<1x16xf32>,
    }
    %scan3A_48 = arith.constant 129 : i32
    %scan3A_49 = arith.constant 0 : i32
    %scan3A_50 = arith.constant 0 : i32
    %scan3A_51 = arith.constant 25 : i32
    %scan3A_52 = arith.addi %scan3A_50, %scan3A_51 : i32
    %scan3A_53 = arith.constant 1 : i32
    scf.for %scan3A_57 = %scan3A_50 to %scan3A_52 step %scan3A_53  : i32 {
      %mul3A_58 = arith.constant 16 : i32
      %mul3A_59 = arith.muli %scan3A_57, %mul3A_58 : i32
      %get3A = arith.index_cast %mul3A_59 : i32 to index
      %get3A_60 = tpu.vector_load %arg5[%get3A] {strides = array<i32>} : memref<400xi32, #tpu.memory_space<vmem>>, vector<16xi32>,
      %get3A_61 = vector.shape_cast %get3A_60 : vector<16xi32> to vector<16xi32>
      %slice3A = vector.extract_strided_slice %get3A_61 {offsets = [0], sizes = [1], strides = [1]} : vector<16xi32> to vector<1xi32>
      %squeeze3A = vector.extract %slice3A[0] : i32 from vector<1xi32>
      %add3A_62 = arith.constant 0 : i32
      %add3A_63 = arith.addi %mul3A_59, %add3A_62 : i32
      %get3A_64 = arith.index_cast %add3A_63 : i32 to index
      %get3A_65 = arith.constant 0 : index
      %get3A_66 = tpu.vector_load %arg6[%get3A_64, %get3A_65] {strides = array<i32>} : memref<400x16xf32, #tpu.memory_space<vmem>>, vector<1x16xf32>,
      %get3A_67 = vector.shape_cast %get3A_66 : vector<1x16xf32> to vector<16xf32>
      %swap3A = arith.index_cast %squeeze3A : i32 to index
      %swap3A_68 = arith.constant 0 : index
      %swap3A_69 = tpu.vector_load %arg7[%swap3A, %swap3A_68] {strides = array<i32>} : memref<1032x16xf32, #tpu.memory_space<vmem>>, vector<1x16xf32>,
      %swap3A_70 = vector.shape_cast %swap3A_69 : vector<1x16xf32> to vector<16xf32>
      %swap3A_71 = vector.shape_cast %get3A_67 : vector<16xf32> to vector<1x16xf32>
      tpu.vector_store %arg7[%swap3A, %swap3A_68], %swap3A_71 {add = true, strides = array<i32>} : memref<1032x16xf32, #tpu.memory_space<vmem>>, vector<1x16xf32>,
      %slice3A_72 = vector.extract_strided_slice %get3A_61 {offsets = [1], sizes = [1], strides = [1]} : vector<16xi32> to vector<1xi32>
      %squeeze3A_73 = vector.extract %slice3A_72[0] : i32 from vector<1xi32>
      %add3A_74 = arith.constant 1 : i32
      %add3A_75 = arith.addi %mul3A_59, %add3A_74 : i32
      %get3A_76 = arith.index_cast %add3A_75 : i32 to index
      %get3A_77 = arith.constant 0 : index
      %get3A_78 = tpu.vector_load %arg6[%get3A_76, %get3A_77] {strides = array<i32>} : memref<400x16xf32, #tpu.memory_space<vmem>>, vector<1x16xf32>,
      %get3A_79 = vector.shape_cast %get3A_78 : vector<1x16xf32> to vector<16xf32>
      %swap3A_80 = arith.index_cast %squeeze3A_73 : i32 to index
      %swap3A_81 = arith.constant 0 : index
      %swap3A_82 = tpu.vector_load %arg7[%swap3A_80, %swap3A_81] {strides = array<i32>} : memref<1032x16xf32, #tpu.memory_space<vmem>>, vector<1x16xf32>,
      %swap3A_83 = vector.shape_cast %swap3A_82 : vector<1x16xf32> to vector<16xf32>
      %swap3A_84 = vector.shape_cast %get3A_79 : vector<16xf32> to vector<1x16xf32>
      tpu.vector_store %arg7[%swap3A_80, %swap3A_81], %swap3A_84 {add = true, strides = array<i32>} : memref<1032x16xf32, #tpu.memory_space<vmem>>, vector<1x16xf32>,
      %slice3A_85 = vector.extract_strided_slice %get3A_61 {offsets = [2], sizes = [1], strides = [1]} : vector<16xi32> to vector<1xi32>
      %squeeze3A_86 = vector.extract %slice3A_85[0] : i32 from vector<1xi32>
      %add3A_87 = arith.constant 2 : i32
      %add3A_88 = arith.addi %mul3A_59, %add3A_87 : i32
      %get3A_89 = arith.index_cast %add3A_88 : i32 to index
      %get3A_90 = arith.constant 0 : index
      %get3A_91 = tpu.vector_load %arg6[%get3A_89, %get3A_90] {strides = array<i32>} : memref<400x16xf32, #tpu.memory_space<vmem>>, vector<1x16xf32>,
      %get3A_92 = vector.shape_cast %get3A_91 : vector<1x16xf32> to vector<16xf32>
      %swap3A_93 = arith.index_cast %squeeze3A_86 : i32 to index
      %swap3A_94 = arith.constant 0 : index
      %swap3A_95 = tpu.vector_load %arg7[%swap3A_93, %swap3A_94] {strides = array<i32>} : memref<1032x16xf32, #tpu.memory_space<vmem>>, vector<1x16xf32>,
      %swap3A_96 = vector.shape_cast %swap3A_95 : vector<1x16xf32> to vector<16xf32>
      %swap3A_97 = vector.shape_cast %get3A_92 : vector<16xf32> to vector<1x16xf32>
      tpu.vector_store %arg7[%swap3A_93, %swap3A_94], %swap3A_97 {add = true, strides = array<i32>} : memref<1032x16xf32, #tpu.memory_space<vmem>>, vector<1x16xf32>,
      %slice3A_98 = vector.extract_strided_slice %get3A_61 {offsets = [3], sizes = [1], strides = [1]} : vector<16xi32> to vector<1xi32>
      %squeeze3A_99 = vector.extract %slice3A_98[0] : i32 from vector<1xi32>
      %add3A_100 = arith.constant 3 : i32
      %add3A_101 = arith.addi %mul3A_59, %add3A_100 : i32
      %get3A_102 = arith.index_cast %add3A_101 : i32 to index
      %get3A_103 = arith.constant 0 : index
      %get3A_104 = tpu.vector_load %arg6[%get3A_102, %get3A_103] {strides = array<i32>} : memref<400x16xf32, #tpu.memory_space<vmem>>, vector<1x16xf32>,
      %get3A_105 = vector.shape_cast %get3A_104 : vector<1x16xf32> to vector<16xf32>
      %swap3A_106 = arith.index_cast %squeeze3A_99 : i32 to index
      %swap3A_107 = arith.constant 0 : index
      %swap3A_108 = tpu.vector_load %arg7[%swap3A_106, %swap3A_107] {strides = array<i32>} : memref<1032x16xf32, #tpu.memory_space<vmem>>, vector<1x16xf32>,
      %swap3A_109 = vector.shape_cast %swap3A_108 : vector<1x16xf32> to vector<16xf32>
      %swap3A_110 = vector.shape_cast %get3A_105 : vector<16xf32> to vector<1x16xf32>
      tpu.vector_store %arg7[%swap3A_106, %swap3A_107], %swap3A_110 {add = true, strides = array<i32>} : memref<1032x16xf32, #tpu.memory_space<vmem>>, vector<1x16xf32>,
      %slice3A_111 = vector.extract_strided_slice %get3A_61 {offsets = [4], sizes = [1], strides = [1]} : vector<16xi32> to vector<1xi32>
      %squeeze3A_112 = vector.extract %slice3A_111[0] : i32 from vector<1xi32>
      %add3A_113 = arith.constant 4 : i32
      %add3A_114 = arith.addi %mul3A_59, %add3A_113 : i32
      %get3A_115 = arith.index_cast %add3A_114 : i32 to index
      %get3A_116 = arith.constant 0 : index
      %get3A_117 = tpu.vector_load %arg6[%get3A_115, %get3A_116] {strides = array<i32>} : memref<400x16xf32, #tpu.memory_space<vmem>>, vector<1x16xf32>,
      %get3A_118 = vector.shape_cast %get3A_117 : vector<1x16xf32> to vector<16xf32>
      %swap3A_119 = arith.index_cast %squeeze3A_112 : i32 to index
      %swap3A_120 = arith.constant 0 : index
      %swap3A_121 = tpu.vector_load %arg7[%swap3A_119, %swap3A_120] {strides = array<i32>} : memref<1032x16xf32, #tpu.memory_space<vmem>>, vector<1x16xf32>,
      %swap3A_122 = vector.shape_cast %swap3A_121 : vector<1x16xf32> to vector<16xf32>
      %swap3A_123 = vector.shape_cast %get3A_118 : vector<16xf32> to vector<1x16xf32>
      tpu.vector_store %arg7[%swap3A_119, %swap3A_120], %swap3A_123 {add = true, strides = array<i32>} : memref<1032x16xf32, #tpu.memory_space<vmem>>, vector<1x16xf32>,
      %slice3A_124 = vector.extract_strided_slice %get3A_61 {offsets = [5], sizes = [1], strides = [1]} : vector<16xi32> to vector<1xi32>
      %squeeze3A_125 = vector.extract %slice3A_124[0] : i32 from vector<1xi32>
      %add3A_126 = arith.constant 5 : i32
      %add3A_127 = arith.addi %mul3A_59, %add3A_126 : i32
      %get3A_128 = arith.index_cast %add3A_127 : i32 to index
      %get3A_129 = arith.constant 0 : index
      %get3A_130 = tpu.vector_load %arg6[%get3A_128, %get3A_129] {strides = array<i32>} : memref<400x16xf32, #tpu.memory_space<vmem>>, vector<1x16xf32>,
      %get3A_131 = vector.shape_cast %get3A_130 : vector<1x16xf32> to vector<16xf32>
      %swap3A_132 = arith.index_cast %squeeze3A_125 : i32 to index
      %swap3A_133 = arith.constant 0 : index
      %swap3A_134 = tpu.vector_load %arg7[%swap3A_132, %swap3A_133] {strides = array<i32>} : memref<1032x16xf32, #tpu.memory_space<vmem>>, vector<1x16xf32>,
      %swap3A_135 = vector.shape_cast %swap3A_134 : vector<1x16xf32> to vector<16xf32>
      %swap3A_136 = vector.shape_cast %get3A_131 : vector<16xf32> to vector<1x16xf32>
      tpu.vector_store %arg7[%swap3A_132, %swap3A_133], %swap3A_136 {add = true, strides = array<i32>} : memref<1032x16xf32, #tpu.memory_space<vmem>>, vector<1x16xf32>,
      %slice3A_137 = vector.extract_strided_slice %get3A_61 {offsets = [6], sizes = [1], strides = [1]} : vector<16xi32> to vector<1xi32>
      %squeeze3A_138 = vector.extract %slice3A_137[0] : i32 from vector<1xi32>
      %add3A_139 = arith.constant 6 : i32
      %add3A_140 = arith.addi %mul3A_59, %add3A_139 : i32
      %get3A_141 = arith.index_cast %add3A_140 : i32 to index
      %get3A_142 = arith.constant 0 : index
      %get3A_143 = tpu.vector_load %arg6[%get3A_141, %get3A_142] {strides = array<i32>} : memref<400x16xf32, #tpu.memory_space<vmem>>, vector<1x16xf32>,
      %get3A_144 = vector.shape_cast %get3A_143 : vector<1x16xf32> to vector<16xf32>
      %swap3A_145 = arith.index_cast %squeeze3A_138 : i32 to index
      %swap3A_146 = arith.constant 0 : index
      %swap3A_147 = tpu.vector_load %arg7[%swap3A_145, %swap3A_146] {strides = array<i32>} : memref<1032x16xf32, #tpu.memory_space<vmem>>, vector<1x16xf32>,
      %swap3A_148 = vector.shape_cast %swap3A_147 : vector<1x16xf32> to vector<16xf32>
      %swap3A_149 = vector.shape_cast %get3A_144 : vector<16xf32> to vector<1x16xf32>
      tpu.vector_store %arg7[%swap3A_145, %swap3A_146], %swap3A_149 {add = true, strides = array<i32>} : memref<1032x16xf32, #tpu.memory_space<vmem>>, vector<1x16xf32>,
      %slice3A_150 = vector.extract_strided_slice %get3A_61 {offsets = [7], sizes = [1], strides = [1]} : vector<16xi32> to vector<1xi32>
      %squeeze3A_151 = vector.extract %slice3A_150[0] : i32 from vector<1xi32>
      %add3A_152 = arith.constant 7 : i32
      %add3A_153 = arith.addi %mul3A_59, %add3A_152 : i32
      %get3A_154 = arith.index_cast %add3A_153 : i32 to index
      %get3A_155 = arith.constant 0 : index
      %get3A_156 = tpu.vector_load %arg6[%get3A_154, %get3A_155] {strides = array<i32>} : memref<400x16xf32, #tpu.memory_space<vmem>>, vector<1x16xf32>,
      %get3A_157 = vector.shape_cast %get3A_156 : vector<1x16xf32> to vector<16xf32>
      %swap3A_158 = arith.index_cast %squeeze3A_151 : i32 to index
      %swap3A_159 = arith.constant 0 : index
      %swap3A_160 = tpu.vector_load %arg7[%swap3A_158, %swap3A_159] {strides = array<i32>} : memref<1032x16xf32, #tpu.memory_space<vmem>>, vector<1x16xf32>,
      %swap3A_161 = vector.shape_cast %swap3A_160 : vector<1x16xf32> to vector<16xf32>
      %swap3A_162 = vector.shape_cast %get3A_157 : vector<16xf32> to vector<1x16xf32>
      tpu.vector_store %arg7[%swap3A_158, %swap3A_159], %swap3A_162 {add = true, strides = array<i32>} : memref<1032x16xf32, #tpu.memory_space<vmem>>, vector<1x16xf32>,
      %slice3A_163 = vector.extract_strided_slice %get3A_61 {offsets = [8], sizes = [1], strides = [1]} : vector<16xi32> to vector<1xi32>
      %squeeze3A_164 = vector.extract %slice3A_163[0] : i32 from vector<1xi32>
      %add3A_165 = arith.constant 8 : i32
      %add3A_166 = arith.addi %mul3A_59, %add3A_165 : i32
      %get3A_167 = arith.index_cast %add3A_166 : i32 to index
      %get3A_168 = arith.constant 0 : index
      %get3A_169 = tpu.vector_load %arg6[%get3A_167, %get3A_168] {strides = array<i32>} : memref<400x16xf32, #tpu.memory_space<vmem>>, vector<1x16xf32>,
      %get3A_170 = vector.shape_cast %get3A_169 : vector<1x16xf32> to vector<16xf32>
      %swap3A_171 = arith.index_cast %squeeze3A_164 : i32 to index
      %swap3A_172 = arith.constant 0 : index
      %swap3A_173 = tpu.vector_load %arg7[%swap3A_171, %swap3A_172] {strides = array<i32>} : memref<1032x16xf32, #tpu.memory_space<vmem>>, vector<1x16xf32>,
      %swap3A_174 = vector.shape_cast %swap3A_173 : vector<1x16xf32> to vector<16xf32>
      %swap3A_175 = vector.shape_cast %get3A_170 : vector<16xf32> to vector<1x16xf32>
      tpu.vector_store %arg7[%swap3A_171, %swap3A_172], %swap3A_175 {add = true, strides = array<i32>} : memref<1032x16xf32, #tpu.memory_space<vmem>>, vector<1x16xf32>,
      %slice3A_176 = vector.extract_strided_slice %get3A_61 {offsets = [9], sizes = [1], strides = [1]} : vector<16xi32> to vector<1xi32>
      %squeeze3A_177 = vector.extract %slice3A_176[0] : i32 from vector<1xi32>
      %add3A_178 = arith.constant 9 : i32
      %add3A_179 = arith.addi %mul3A_59, %add3A_178 : i32
      %get3A_180 = arith.index_cast %add3A_179 : i32 to index
      %get3A_181 = arith.constant 0 : index
      %get3A_182 = tpu.vector_load %arg6[%get3A_180, %get3A_181] {strides = array<i32>} : memref<400x16xf32, #tpu.memory_space<vmem>>, vector<1x16xf32>,
      %get3A_183 = vector.shape_cast %get3A_182 : vector<1x16xf32> to vector<16xf32>
      %swap3A_184 = arith.index_cast %squeeze3A_177 : i32 to index
      %swap3A_185 = arith.constant 0 : index
      %swap3A_186 = tpu.vector_load %arg7[%swap3A_184, %swap3A_185] {strides = array<i32>} : memref<1032x16xf32, #tpu.memory_space<vmem>>, vector<1x16xf32>,
      %swap3A_187 = vector.shape_cast %swap3A_186 : vector<1x16xf32> to vector<16xf32>
      %swap3A_188 = vector.shape_cast %get3A_183 : vector<16xf32> to vector<1x16xf32>
      tpu.vector_store %arg7[%swap3A_184, %swap3A_185], %swap3A_188 {add = true, strides = array<i32>} : memref<1032x16xf32, #tpu.memory_space<vmem>>, vector<1x16xf32>,
      %slice3A_189 = vector.extract_strided_slice %get3A_61 {offsets = [10], sizes = [1], strides = [1]} : vector<16xi32> to vector<1xi32>
      %squeeze3A_190 = vector.extract %slice3A_189[0] : i32 from vector<1xi32>
      %add3A_191 = arith.constant 10 : i32
      %add3A_192 = arith.addi %mul3A_59, %add3A_191 : i32
      %get3A_193 = arith.index_cast %add3A_192 : i32 to index
      %get3A_194 = arith.constant 0 : index
      %get3A_195 = tpu.vector_load %arg6[%get3A_193, %get3A_194] {strides = array<i32>} : memref<400x16xf32, #tpu.memory_space<vmem>>, vector<1x16xf32>,
      %get3A_196 = vector.shape_cast %get3A_195 : vector<1x16xf32> to vector<16xf32>
      %swap3A_197 = arith.index_cast %squeeze3A_190 : i32 to index
      %swap3A_198 = arith.constant 0 : index
      %swap3A_199 = tpu.vector_load %arg7[%swap3A_197, %swap3A_198] {strides = array<i32>} : memref<1032x16xf32, #tpu.memory_space<vmem>>, vector<1x16xf32>,
      %swap3A_200 = vector.shape_cast %swap3A_199 : vector<1x16xf32> to vector<16xf32>
      %swap3A_201 = vector.shape_cast %get3A_196 : vector<16xf32> to vector<1x16xf32>
      tpu.vector_store %arg7[%swap3A_197, %swap3A_198], %swap3A_201 {add = true, strides = array<i32>} : memref<1032x16xf32, #tpu.memory_space<vmem>>, vector<1x16xf32>,
      %slice3A_202 = vector.extract_strided_slice %get3A_61 {offsets = [11], sizes = [1], strides = [1]} : vector<16xi32> to vector<1xi32>
      %squeeze3A_203 = vector.extract %slice3A_202[0] : i32 from vector<1xi32>
      %add3A_204 = arith.constant 11 : i32
      %add3A_205 = arith.addi %mul3A_59, %add3A_204 : i32
      %get3A_206 = arith.index_cast %add3A_205 : i32 to index
      %get3A_207 = arith.constant 0 : index
      %get3A_208 = tpu.vector_load %arg6[%get3A_206, %get3A_207] {strides = array<i32>} : memref<400x16xf32, #tpu.memory_space<vmem>>, vector<1x16xf32>,
      %get3A_209 = vector.shape_cast %get3A_208 : vector<1x16xf32> to vector<16xf32>
      %swap3A_210 = arith.index_cast %squeeze3A_203 : i32 to index
      %swap3A_211 = arith.constant 0 : index
      %swap3A_212 = tpu.vector_load %arg7[%swap3A_210, %swap3A_211] {strides = array<i32>} : memref<1032x16xf32, #tpu.memory_space<vmem>>, vector<1x16xf32>,
      %swap3A_213 = vector.shape_cast %swap3A_212 : vector<1x16xf32> to vector<16xf32>
      %swap3A_214 = vector.shape_cast %get3A_209 : vector<16xf32> to vector<1x16xf32>
      tpu.vector_store %arg7[%swap3A_210, %swap3A_211], %swap3A_214 {add = true, strides = array<i32>} : memref<1032x16xf32, #tpu.memory_space<vmem>>, vector<1x16xf32>,
      %slice3A_215 = vector.extract_strided_slice %get3A_61 {offsets = [12], sizes = [1], strides = [1]} : vector<16xi32> to vector<1xi32>
      %squeeze3A_216 = vector.extract %slice3A_215[0] : i32 from vector<1xi32>
      %add3A_217 = arith.constant 12 : i32
      %add3A_218 = arith.addi %mul3A_59, %add3A_217 : i32
      %get3A_219 = arith.index_cast %add3A_218 : i32 to index
      %get3A_220 = arith.constant 0 : index
      %get3A_221 = tpu.vector_load %arg6[%get3A_219, %get3A_220] {strides = array<i32>} : memref<400x16xf32, #tpu.memory_space<vmem>>, vector<1x16xf32>,
      %get3A_222 = vector.shape_cast %get3A_221 : vector<1x16xf32> to vector<16xf32>
      %swap3A_223 = arith.index_cast %squeeze3A_216 : i32 to index
      %swap3A_224 = arith.constant 0 : index
      %swap3A_225 = tpu.vector_load %arg7[%swap3A_223, %swap3A_224] {strides = array<i32>} : memref<1032x16xf32, #tpu.memory_space<vmem>>, vector<1x16xf32>,
      %swap3A_226 = vector.shape_cast %swap3A_225 : vector<1x16xf32> to vector<16xf32>
      %swap3A_227 = vector.shape_cast %get3A_222 : vector<16xf32> to vector<1x16xf32>
      tpu.vector_store %arg7[%swap3A_223, %swap3A_224], %swap3A_227 {add = true, strides = array<i32>} : memref<1032x16xf32, #tpu.memory_space<vmem>>, vector<1x16xf32>,
      %slice3A_228 = vector.extract_strided_slice %get3A_61 {offsets = [13], sizes = [1], strides = [1]} : vector<16xi32> to vector<1xi32>
      %squeeze3A_229 = vector.extract %slice3A_228[0] : i32 from vector<1xi32>
      %add3A_230 = arith.constant 13 : i32
      %add3A_231 = arith.addi %mul3A_59, %add3A_230 : i32
      %get3A_232 = arith.index_cast %add3A_231 : i32 to index
      %get3A_233 = arith.constant 0 : index
      %get3A_234 = tpu.vector_load %arg6[%get3A_232, %get3A_233] {strides = array<i32>} : memref<400x16xf32, #tpu.memory_space<vmem>>, vector<1x16xf32>,
      %get3A_235 = vector.shape_cast %get3A_234 : vector<1x16xf32> to vector<16xf32>
      %swap3A_236 = arith.index_cast %squeeze3A_229 : i32 to index
      %swap3A_237 = arith.constant 0 : index
      %swap3A_238 = tpu.vector_load %arg7[%swap3A_236, %swap3A_237] {strides = array<i32>} : memref<1032x16xf32, #tpu.memory_space<vmem>>, vector<1x16xf32>,
      %swap3A_239 = vector.shape_cast %swap3A_238 : vector<1x16xf32> to vector<16xf32>
      %swap3A_240 = vector.shape_cast %get3A_235 : vector<16xf32> to vector<1x16xf32>
      tpu.vector_store %arg7[%swap3A_236, %swap3A_237], %swap3A_240 {add = true, strides = array<i32>} : memref<1032x16xf32, #tpu.memory_space<vmem>>, vector<1x16xf32>,
      %slice3A_241 = vector.extract_strided_slice %get3A_61 {offsets = [14], sizes = [1], strides = [1]} : vector<16xi32> to vector<1xi32>
      %squeeze3A_242 = vector.extract %slice3A_241[0] : i32 from vector<1xi32>
      %add3A_243 = arith.constant 14 : i32
      %add3A_244 = arith.addi %mul3A_59, %add3A_243 : i32
      %get3A_245 = arith.index_cast %add3A_244 : i32 to index
      %get3A_246 = arith.constant 0 : index
      %get3A_247 = tpu.vector_load %arg6[%get3A_245, %get3A_246] {strides = array<i32>} : memref<400x16xf32, #tpu.memory_space<vmem>>, vector<1x16xf32>,
      %get3A_248 = vector.shape_cast %get3A_247 : vector<1x16xf32> to vector<16xf32>
      %swap3A_249 = arith.index_cast %squeeze3A_242 : i32 to index
      %swap3A_250 = arith.constant 0 : index
      %swap3A_251 = tpu.vector_load %arg7[%swap3A_249, %swap3A_250] {strides = array<i32>} : memref<1032x16xf32, #tpu.memory_space<vmem>>, vector<1x16xf32>,
      %swap3A_252 = vector.shape_cast %swap3A_251 : vector<1x16xf32> to vector<16xf32>
      %swap3A_253 = vector.shape_cast %get3A_248 : vector<16xf32> to vector<1x16xf32>
      tpu.vector_store %arg7[%swap3A_249, %swap3A_250], %swap3A_253 {add = true, strides = array<i32>} : memref<1032x16xf32, #tpu.memory_space<vmem>>, vector<1x16xf32>,
      %slice3A_254 = vector.extract_strided_slice %get3A_61 {offsets = [15], sizes = [1], strides = [1]} : vector<16xi32> to vector<1xi32>
      %squeeze3A_255 = vector.extract %slice3A_254[0] : i32 from vector<1xi32>
      %add3A_256 = arith.constant 15 : i32
      %add3A_257 = arith.addi %mul3A_59, %add3A_256 : i32
      %get3A_258 = arith.index_cast %add3A_257 : i32 to index
      %get3A_259 = arith.constant 0 : index
      %get3A_260 = tpu.vector_load %arg6[%get3A_258, %get3A_259] {strides = array<i32>} : memref<400x16xf32, #tpu.memory_space<vmem>>, vector<1x16xf32>,
      %get3A_261 = vector.shape_cast %get3A_260 : vector<1x16xf32> to vector<16xf32>
      %swap3A_262 = arith.index_cast %squeeze3A_255 : i32 to index
      %swap3A_263 = arith.constant 0 : index
      %swap3A_264 = tpu.vector_load %arg7[%swap3A_262, %swap3A_263] {strides = array<i32>} : memref<1032x16xf32, #tpu.memory_space<vmem>>, vector<1x16xf32>,
      %swap3A_265 = vector.shape_cast %swap3A_264 : vector<1x16xf32> to vector<16xf32>
      %swap3A_266 = vector.shape_cast %get3A_261 : vector<16xf32> to vector<1x16xf32>
      tpu.vector_store %arg7[%swap3A_262, %swap3A_263], %swap3A_266 {add = true, strides = array<i32>} : memref<1032x16xf32, #tpu.memory_space<vmem>>, vector<1x16xf32>,
    }
    %scan3A_54 = arith.constant 25 : i32
    %mul3A_55 = arith.constant 1032 : i32
    %mul3A_56 = arith.muli %select_n3A, %mul3A_55 : i32
    "tpu.region"() ({
      %run_scoped3A = tpu.sem_alloc : memref<!tpu.dma_semaphore, #tpu.memory_space<semaphore_mem>>
      %dma_start3A = tpu.memref_slice %arg4[%mul3A_56, %mul3A_34] : memref<2064x256xf32, #tpu.memory_space<hbm>> -> memref<1032x16xf32, #tpu.memory_space<hbm>>
      %dma_start3A_57 = tpu.memref_slice %arg4[%mul3A_56, %mul3A_34] : memref<2064x256xf32, #tpu.memory_space<hbm>> -> memref<1032x16xf32, #tpu.memory_space<hbm>>
      tpu.enqueue_dma source(%arg7 : memref<1032x16xf32, #tpu.memory_space<vmem>>) target(%dma_start3A_57 : memref<1032x16xf32, #tpu.memory_space<hbm>>) target_semaphore(%run_scoped3A : memref<!tpu.dma_semaphore, #tpu.memory_space<semaphore_mem>>)
      %dma_wait3A = tpu.memref_slice %arg4[%mul3A_56, %mul3A_34] : memref<2064x256xf32, #tpu.memory_space<hbm>> -> memref<1032x16xf32, #tpu.memory_space<hbm>>
      %dma_wait3A_58 = tpu.memref_slice %arg4[%mul3A_56, %mul3A_34] : memref<2064x256xf32, #tpu.memory_space<hbm>> -> memref<1032x16xf32, #tpu.memory_space<hbm>>
      tpu.wait_dma2 semaphore(%run_scoped3A : memref<!tpu.dma_semaphore, #tpu.memory_space<semaphore_mem>>) src(%arg7 : memref<1032x16xf32, #tpu.memory_space<vmem>>) dst(%dma_wait3A_58 : memref<1032x16xf32, #tpu.memory_space<hbm>>)
      tpu.yield
    }) : () -> ()
    return
  }
}

module attributes {stable_mosaic.version = 14 : i64} {
  func.func @_argmin_body(%arg0: memref<784x256xf32, #tpu.memory_space<vmem>>, %arg1: memref<1024x256xf32, #tpu.memory_space<vmem>>, %arg2: memref<784x1xi32, #tpu.memory_space<vmem>>, %arg3: memref<1024x256xbf16, #tpu.memory_space<vmem>>, %arg4: memref<1024x256xbf16, #tpu.memory_space<vmem>>, %arg5: memref<1024x256xbf16, #tpu.memory_space<vmem>>, %arg6: memref<1x1024xf32, #tpu.memory_space<vmem>>) attributes {dimension_semantics = [], scalar_prefetch = 0 : i64, scratch_operands = 4 : i64, tpu.core_type = #tpu.core_type<tc>} {
    %get3A = arith.constant 0 : index
    %get3A_0 = arith.constant 0 : index
    %get3A_1 = vector.load %arg1[%get3A, %get3A_0] : memref<1024x256xf32, #tpu.memory_space<vmem>>, vector<1024x256xf32>
    %convert_element_type3A = arith.truncf %get3A_1 : vector<1024x256xf32> to vector<1024x256xbf16>
    %convert_element_type3A_2 = arith.extf %convert_element_type3A : vector<1024x256xbf16> to vector<1024x256xf32>
    %sub3A = arith.subf %get3A_1, %convert_element_type3A_2 : vector<1024x256xf32>
    %convert_element_type3A_3 = arith.truncf %sub3A : vector<1024x256xf32> to vector<1024x256xbf16>
    %swap3A = arith.constant 0 : index
    %swap3A_4 = arith.constant 0 : index
    %swap3A_5 = vector.load %arg3[%swap3A, %swap3A_4] : memref<1024x256xbf16, #tpu.memory_space<vmem>>, vector<1024x256xbf16>
    tpu.vector_store %arg3[%swap3A, %swap3A_4], %convert_element_type3A {strides = array<i32>} : memref<1024x256xbf16, #tpu.memory_space<vmem>>, vector<1024x256xbf16>,
    %swap3A_6 = arith.constant 0 : index
    %swap3A_7 = arith.constant 0 : index
    %swap3A_8 = vector.load %arg4[%swap3A_6, %swap3A_7] : memref<1024x256xbf16, #tpu.memory_space<vmem>>, vector<1024x256xbf16>
    tpu.vector_store %arg4[%swap3A_6, %swap3A_7], %convert_element_type3A_3 {strides = array<i32>} : memref<1024x256xbf16, #tpu.memory_space<vmem>>, vector<1024x256xbf16>,
    %convert_element_type3A_9 = arith.extf %convert_element_type3A_3 : vector<1024x256xbf16> to vector<1024x256xf32>
    %sub3A_10 = arith.subf %sub3A, %convert_element_type3A_9 : vector<1024x256xf32>
    %convert_element_type3A_11 = arith.truncf %sub3A_10 : vector<1024x256xf32> to vector<1024x256xbf16>
    %swap3A_12 = arith.constant 0 : index
    %swap3A_13 = arith.constant 0 : index
    %swap3A_14 = vector.load %arg5[%swap3A_12, %swap3A_13] : memref<1024x256xbf16, #tpu.memory_space<vmem>>, vector<1024x256xbf16>
    tpu.vector_store %arg5[%swap3A_12, %swap3A_13], %convert_element_type3A_11 {strides = array<i32>} : memref<1024x256xbf16, #tpu.memory_space<vmem>>, vector<1024x256xbf16>,
    %mul3A = arith.mulf %get3A_1, %get3A_1 : vector<1024x256xf32>
    %reduce_sum3A = arith.constant dense<0.000000e+00> : vector<1024xf32>
    %reduce_sum3A_15 = vector.multi_reduction <add>, %mul3A, %reduce_sum3A [1] : vector<1024x256xf32> to vector<1024xf32>
    %broadcast_in_dim3A = vector.shape_cast %reduce_sum3A_15 : vector<1024xf32> to vector<1x1024xf32>
    %swap3A_16 = arith.constant 0 : index
    %swap3A_17 = arith.constant 0 : index
    %swap3A_18 = vector.load %arg6[%swap3A_16, %swap3A_17] : memref<1x1024xf32, #tpu.memory_space<vmem>>, vector<1x1024xf32>
    tpu.vector_store %arg6[%swap3A_16, %swap3A_17], %broadcast_in_dim3A {strides = array<i32>} : memref<1x1024xf32, #tpu.memory_space<vmem>>, vector<1x1024xf32>,
    %get3A_19 = arith.constant 0 : index
    %get3A_20 = arith.constant 0 : index
    %get3A_21 = vector.load %arg0[%get3A_19, %get3A_20] : memref<784x256xf32, #tpu.memory_space<vmem>>, vector<784x256xf32>
    %convert_element_type3A_22 = arith.truncf %get3A_21 : vector<784x256xf32> to vector<784x256xbf16>
    %convert_element_type3A_23 = arith.extf %convert_element_type3A_22 : vector<784x256xbf16> to vector<784x256xf32>
    %sub3A_24 = arith.subf %get3A_21, %convert_element_type3A_23 : vector<784x256xf32>
    %convert_element_type3A_25 = arith.truncf %sub3A_24 : vector<784x256xf32> to vector<784x256xbf16>
    %get3A_26 = arith.constant 0 : index
    %get3A_27 = arith.constant 0 : index
    %get3A_28 = vector.load %arg3[%get3A_26, %get3A_27] : memref<1024x256xbf16, #tpu.memory_space<vmem>>, vector<1024x256xbf16>
    %dot_general3A = arith.constant dense<0.000000e+00> : vector<784x1024xf32>
    %dot_general3A_29 = tpu.matmul %convert_element_type3A_22, %get3A_28, %dot_general3A {dimension_numbers = #tpu.dot_dimension_numbers<[1], [1], [0], [0], [0, 0, 1, 0], [], []>, transpose_lhs_hint = false} : vector<784x256xbf16>, vector<1024x256xbf16>, vector<784x1024xf32> -> vector<784x1024xf32>
    %get3A_30 = arith.constant 0 : index
    %get3A_31 = arith.constant 0 : index
    %get3A_32 = vector.load %arg4[%get3A_30, %get3A_31] : memref<1024x256xbf16, #tpu.memory_space<vmem>>, vector<1024x256xbf16>
    %dot_general3A_33 = arith.constant dense<0.000000e+00> : vector<784x1024xf32>
    %dot_general3A_34 = tpu.matmul %convert_element_type3A_22, %get3A_32, %dot_general3A_33 {dimension_numbers = #tpu.dot_dimension_numbers<[1], [1], [0], [0], [0, 0, 1, 0], [], []>, transpose_lhs_hint = false} : vector<784x256xbf16>, vector<1024x256xbf16>, vector<784x1024xf32> -> vector<784x1024xf32>
    %add3A = arith.addf %dot_general3A_29, %dot_general3A_34 : vector<784x1024xf32>
    %get3A_35 = arith.constant 0 : index
    %get3A_36 = arith.constant 0 : index
    %get3A_37 = vector.load %arg3[%get3A_35, %get3A_36] : memref<1024x256xbf16, #tpu.memory_space<vmem>>, vector<1024x256xbf16>
    %dot_general3A_38 = arith.constant dense<0.000000e+00> : vector<784x1024xf32>
    %dot_general3A_39 = tpu.matmul %convert_element_type3A_25, %get3A_37, %dot_general3A_38 {dimension_numbers = #tpu.dot_dimension_numbers<[1], [1], [0], [0], [0, 0, 1, 0], [], []>, transpose_lhs_hint = false} : vector<784x256xbf16>, vector<1024x256xbf16>, vector<784x1024xf32> -> vector<784x1024xf32>
    %add3A_40 = arith.addf %add3A, %dot_general3A_39 : vector<784x1024xf32>
    %get3A_41 = arith.constant 0 : index
    %get3A_42 = arith.constant 0 : index
    %get3A_43 = vector.load %arg6[%get3A_41, %get3A_42] : memref<1x1024xf32, #tpu.memory_space<vmem>>, vector<1x1024xf32>
    %mul3A_44 = arith.constant 2.000000e+00 : f32
    %mul3A_45 = vector.broadcast %mul3A_44 : f32 to vector<784x1024xf32>
    %mul3A_46 = arith.mulf %mul3A_45, %add3A_40 : vector<784x1024xf32>
    %sub3A_47 = vector.broadcast %get3A_43 : vector<1x1024xf32> to vector<784x1024xf32>
    %sub3A_48 = arith.subf %sub3A_47, %mul3A_46 : vector<784x1024xf32>
    %iota3A = tpu.iota {dimensions = array<i32: 1>} : vector<784x1024xi32>
    %reduce_min3A = arith.constant dense<0x7F800000> : vector<784xf32>
    %reduce_min3A_49 = vector.multi_reduction <minimumf>, %sub3A_48, %reduce_min3A [1] : vector<784x1024xf32> to vector<784xf32>
    %broadcast_in_dim3A_50 = vector.shape_cast %reduce_min3A_49 : vector<784xf32> to vector<784x1xf32>
    %eq3A = vector.broadcast %broadcast_in_dim3A_50 : vector<784x1xf32> to vector<784x1024xf32>
    %eq3A_51 = arith.cmpf oeq, %sub3A_48, %eq3A : vector<784x1024xf32>
    %jit3A = arith.constant 1024 : i32
    %broadcast_in_dim3A_52 = vector.broadcast %jit3A : i32 to vector<784x1024xi32>
    %select_n3A = arith.select %eq3A_51, %iota3A, %broadcast_in_dim3A_52 : vector<784x1024xi1>, vector<784x1024xi32>
    %reduce_min3A_53 = arith.constant dense<2147483647> : vector<784xi32>
    %reduce_min3A_54 = vector.multi_reduction <minsi>, %select_n3A, %reduce_min3A_53 [1] : vector<784x1024xi32> to vector<784xi32>
    %broadcast_in_dim3A_55 = vector.shape_cast %reduce_min3A_54 : vector<784xi32> to vector<784x1xi32>
    %eq3A_56 = vector.broadcast %broadcast_in_dim3A_55 : vector<784x1xi32> to vector<784x1024xi32>
    %eq3A_57 = arith.cmpi eq, %iota3A, %eq3A_56 : vector<784x1024xi32>
    %jit3A_58 = arith.constant 0x7F800000 : f32
    %broadcast_in_dim3A_59 = vector.broadcast %jit3A_58 : f32 to vector<784x1024xf32>
    %select_n3A_60 = arith.select %eq3A_57, %broadcast_in_dim3A_59, %sub3A_48 : vector<784x1024xi1>, vector<784x1024xf32>
    %reduce_min3A_61 = arith.constant dense<0x7F800000> : vector<784xf32>
    %reduce_min3A_62 = vector.multi_reduction <minimumf>, %select_n3A_60, %reduce_min3A_61 [1] : vector<784x1024xf32> to vector<784xf32>
    %broadcast_in_dim3A_63 = vector.shape_cast %reduce_min3A_62 : vector<784xf32> to vector<784x1xf32>
    %eq3A_64 = vector.broadcast %broadcast_in_dim3A_63 : vector<784x1xf32> to vector<784x1024xf32>
    %eq3A_65 = arith.cmpf oeq, %select_n3A_60, %eq3A_64 : vector<784x1024xf32>
    %jit3A_66 = arith.constant 1024 : i32
    %broadcast_in_dim3A_67 = vector.broadcast %jit3A_66 : i32 to vector<784x1024xi32>
    %select_n3A_68 = arith.select %eq3A_65, %iota3A, %broadcast_in_dim3A_67 : vector<784x1024xi1>, vector<784x1024xi32>
    %reduce_min3A_69 = arith.constant dense<2147483647> : vector<784xi32>
    %reduce_min3A_70 = vector.multi_reduction <minsi>, %select_n3A_68, %reduce_min3A_69 [1] : vector<784x1024xi32> to vector<784xi32>
    %broadcast_in_dim3A_71 = vector.shape_cast %reduce_min3A_54 : vector<784xi32> to vector<784x1xi32>
    %eq3A_72 = vector.broadcast %broadcast_in_dim3A_71 : vector<784x1xi32> to vector<784x1024xi32>
    %eq3A_73 = arith.cmpi eq, %iota3A, %eq3A_72 : vector<784x1024xi32>
    %convert_element_type3A_74 = arith.extui %eq3A_73 : vector<784x1024xi1> to vector<784x1024xi32>
    %convert_element_type3A_75 = arith.sitofp %convert_element_type3A_74 : vector<784x1024xi32> to vector<784x1024xf32>
    %convert_element_type3A_76 = arith.truncf %convert_element_type3A_75 : vector<784x1024xf32> to vector<784x1024xbf16>
    %get3A_77 = arith.constant 0 : index
    %get3A_78 = arith.constant 0 : index
    %get3A_79 = vector.load %arg3[%get3A_77, %get3A_78] : memref<1024x256xbf16, #tpu.memory_space<vmem>>, vector<1024x256xbf16>
    %dot_general3A_80 = arith.constant dense<0.000000e+00> : vector<784x256xf32>
    %dot_general3A_81 = tpu.matmul %convert_element_type3A_76, %get3A_79, %dot_general3A_80 {dimension_numbers = #tpu.dot_dimension_numbers<[1], [0], [0], [1], [0, 0, 1, 1], [], []>, transpose_lhs_hint = false} : vector<784x1024xbf16>, vector<1024x256xbf16>, vector<784x256xf32> -> vector<784x256xf32>
    %get3A_82 = arith.constant 0 : index
    %get3A_83 = arith.constant 0 : index
    %get3A_84 = vector.load %arg4[%get3A_82, %get3A_83] : memref<1024x256xbf16, #tpu.memory_space<vmem>>, vector<1024x256xbf16>
    %dot_general3A_85 = arith.constant dense<0.000000e+00> : vector<784x256xf32>
    %dot_general3A_86 = tpu.matmul %convert_element_type3A_76, %get3A_84, %dot_general3A_85 {dimension_numbers = #tpu.dot_dimension_numbers<[1], [0], [0], [1], [0, 0, 1, 1], [], []>, transpose_lhs_hint = false} : vector<784x1024xbf16>, vector<1024x256xbf16>, vector<784x256xf32> -> vector<784x256xf32>
    %add3A_87 = arith.addf %dot_general3A_81, %dot_general3A_86 : vector<784x256xf32>
    %get3A_88 = arith.constant 0 : index
    %get3A_89 = arith.constant 0 : index
    %get3A_90 = vector.load %arg5[%get3A_88, %get3A_89] : memref<1024x256xbf16, #tpu.memory_space<vmem>>, vector<1024x256xbf16>
    %dot_general3A_91 = arith.constant dense<0.000000e+00> : vector<784x256xf32>
    %dot_general3A_92 = tpu.matmul %convert_element_type3A_76, %get3A_90, %dot_general3A_91 {dimension_numbers = #tpu.dot_dimension_numbers<[1], [0], [0], [1], [0, 0, 1, 1], [], []>, transpose_lhs_hint = false} : vector<784x1024xbf16>, vector<1024x256xbf16>, vector<784x256xf32> -> vector<784x256xf32>
    %add3A_93 = arith.addf %add3A_87, %dot_general3A_92 : vector<784x256xf32>
    %sub3A_94 = arith.subf %get3A_21, %add3A_93 : vector<784x256xf32>
    %integer_pow3A = arith.mulf %sub3A_94, %sub3A_94 : vector<784x256xf32>
    %reduce_sum3A_95 = arith.constant dense<0.000000e+00> : vector<784xf32>
    %reduce_sum3A_96 = vector.multi_reduction <add>, %integer_pow3A, %reduce_sum3A_95 [1] : vector<784x256xf32> to vector<784xf32>
    %sqrt3A = math.sqrt %reduce_sum3A_96 : vector<784xf32>
    %broadcast_in_dim3A_97 = vector.shape_cast %reduce_min3A_70 : vector<784xi32> to vector<784x1xi32>
    %eq3A_98 = vector.broadcast %broadcast_in_dim3A_97 : vector<784x1xi32> to vector<784x1024xi32>
    %eq3A_99 = arith.cmpi eq, %iota3A, %eq3A_98 : vector<784x1024xi32>
    %convert_element_type3A_100 = arith.extui %eq3A_99 : vector<784x1024xi1> to vector<784x1024xi32>
    %convert_element_type3A_101 = arith.sitofp %convert_element_type3A_100 : vector<784x1024xi32> to vector<784x1024xf32>
    %convert_element_type3A_102 = arith.truncf %convert_element_type3A_101 : vector<784x1024xf32> to vector<784x1024xbf16>
    %get3A_103 = arith.constant 0 : index
    %get3A_104 = arith.constant 0 : index
    %get3A_105 = vector.load %arg3[%get3A_103, %get3A_104] : memref<1024x256xbf16, #tpu.memory_space<vmem>>, vector<1024x256xbf16>
    %dot_general3A_106 = arith.constant dense<0.000000e+00> : vector<784x256xf32>
    %dot_general3A_107 = tpu.matmul %convert_element_type3A_102, %get3A_105, %dot_general3A_106 {dimension_numbers = #tpu.dot_dimension_numbers<[1], [0], [0], [1], [0, 0, 1, 1], [], []>, transpose_lhs_hint = false} : vector<784x1024xbf16>, vector<1024x256xbf16>, vector<784x256xf32> -> vector<784x256xf32>
    %get3A_108 = arith.constant 0 : index
    %get3A_109 = arith.constant 0 : index
    %get3A_110 = vector.load %arg4[%get3A_108, %get3A_109] : memref<1024x256xbf16, #tpu.memory_space<vmem>>, vector<1024x256xbf16>
    %dot_general3A_111 = arith.constant dense<0.000000e+00> : vector<784x256xf32>
    %dot_general3A_112 = tpu.matmul %convert_element_type3A_102, %get3A_110, %dot_general3A_111 {dimension_numbers = #tpu.dot_dimension_numbers<[1], [0], [0], [1], [0, 0, 1, 1], [], []>, transpose_lhs_hint = false} : vector<784x1024xbf16>, vector<1024x256xbf16>, vector<784x256xf32> -> vector<784x256xf32>
    %add3A_113 = arith.addf %dot_general3A_107, %dot_general3A_112 : vector<784x256xf32>
    %get3A_114 = arith.constant 0 : index
    %get3A_115 = arith.constant 0 : index
    %get3A_116 = vector.load %arg5[%get3A_114, %get3A_115] : memref<1024x256xbf16, #tpu.memory_space<vmem>>, vector<1024x256xbf16>
    %dot_general3A_117 = arith.constant dense<0.000000e+00> : vector<784x256xf32>
    %dot_general3A_118 = tpu.matmul %convert_element_type3A_102, %get3A_116, %dot_general3A_117 {dimension_numbers = #tpu.dot_dimension_numbers<[1], [0], [0], [1], [0, 0, 1, 1], [], []>, transpose_lhs_hint = false} : vector<784x1024xbf16>, vector<1024x256xbf16>, vector<784x256xf32> -> vector<784x256xf32>
    %add3A_119 = arith.addf %add3A_113, %dot_general3A_118 : vector<784x256xf32>
    %sub3A_120 = arith.subf %get3A_21, %add3A_119 : vector<784x256xf32>
    %integer_pow3A_121 = arith.mulf %sub3A_120, %sub3A_120 : vector<784x256xf32>
    %reduce_sum3A_122 = arith.constant dense<0.000000e+00> : vector<784xf32>
    %reduce_sum3A_123 = vector.multi_reduction <add>, %integer_pow3A_121, %reduce_sum3A_122 [1] : vector<784x256xf32> to vector<784xf32>
    %sqrt3A_124 = math.sqrt %reduce_sum3A_123 : vector<784xf32>
    %lt3A = arith.cmpf olt, %sqrt3A_124, %sqrt3A : vector<784xf32>
    %eq3A_125 = arith.cmpf oeq, %sqrt3A_124, %sqrt3A : vector<784xf32>
    %lt3A_126 = arith.cmpi slt, %reduce_min3A_70, %reduce_min3A_54 : vector<784xi32>
    %and3A = arith.andi %eq3A_125, %lt3A_126 : vector<784xi1>
    %or3A = arith.ori %lt3A, %and3A : vector<784xi1>
    %select_n3A_127 = arith.select %or3A, %reduce_min3A_70, %reduce_min3A_54 : vector<784xi1>, vector<784xi32>
    %broadcast_in_dim3A_128 = vector.shape_cast %select_n3A_127 : vector<784xi32> to vector<784x1xi32>
    %swap3A_129 = arith.constant 0 : index
    %swap3A_130 = arith.constant 0 : index
    %swap3A_131 = vector.load %arg2[%swap3A_129, %swap3A_130] : memref<784x1xi32, #tpu.memory_space<vmem>>, vector<784x1xi32>
    tpu.vector_store %arg2[%swap3A_129, %swap3A_130], %broadcast_in_dim3A_128 {strides = array<i32>} : memref<784x1xi32, #tpu.memory_space<vmem>>, vector<784x1xi32>,
    return
  }
}

module attributes {stable_mosaic.version = 14 : i64} {
  func.func @_update_body(%arg0: memref<784x256xf32, #tpu.memory_space<vmem>>, %arg1: memref<784x1xi32, #tpu.memory_space<vmem>>, %arg2: memref<2064x256xf32, #tpu.memory_space<vmem>>, %arg3: memref<1x1024xf32, #tpu.memory_space<vmem>>, %arg4: memref<1x1xf32, #tpu.memory_space<smem>>, %arg5: memref<1024x256xf32, #tpu.memory_space<vmem>>, %arg6: memref<1x1xf32, #tpu.memory_space<smem>>, %arg7: memref<784x256xf32, #tpu.memory_space<vmem>>, %arg8: memref<1x1xf32, #tpu.memory_space<smem>>) attributes {dimension_semantics = [], scalar_prefetch = 0 : i64, scratch_operands = 0 : i64, tpu.core_type = #tpu.core_type<tc>} {
    %get3A = arith.constant 0 : index
    %get3A_0 = arith.constant 0 : index
    %get3A_1 = vector.load %arg0[%get3A, %get3A_0] : memref<784x256xf32, #tpu.memory_space<vmem>>, vector<784x256xf32>
    %get3A_2 = arith.constant 0 : index
    %get3A_3 = arith.constant 0 : index
    %get3A_4 = vector.load %arg1[%get3A_2, %get3A_3] : memref<784x1xi32, #tpu.memory_space<vmem>>, vector<784x1xi32>
    %iota3A = tpu.iota {dimensions = array<i32: 1>} : vector<784x1024xi32>
    %eq3A = vector.broadcast %get3A_4 : vector<784x1xi32> to vector<784x1024xi32>
    %eq3A_5 = arith.cmpi eq, %iota3A, %eq3A : vector<784x1024xi32>
    %convert_element_type3A = arith.extui %eq3A_5 : vector<784x1024xi1> to vector<784x1024xi32>
    %convert_element_type3A_6 = arith.sitofp %convert_element_type3A : vector<784x1024xi32> to vector<784x1024xf32>
    %reduce_sum3A = arith.constant dense<0.000000e+00> : vector<1024xf32>
    %reduce_sum3A_7 = vector.multi_reduction <add>, %convert_element_type3A_6, %reduce_sum3A [0] : vector<784x1024xf32> to vector<1024xf32>
    %broadcast_in_dim3A = vector.shape_cast %reduce_sum3A_7 : vector<1024xf32> to vector<1x1024xf32>
    %get3A_8 = arith.constant 0 : index
    %get3A_9 = arith.constant 0 : index
    %get3A_10 = memref.load %arg4[%get3A_8, %get3A_9] : memref<1x1xf32, #tpu.memory_space<smem>>
    %add3A = arith.constant 1.000000e+00 : f32
    %add3A_11 = arith.addf %get3A_10, %add3A : f32
    %get3A_12 = arith.constant 0 : index
    %get3A_13 = arith.constant 0 : index
    %get3A_14 = vector.load %arg3[%get3A_12, %get3A_13] : memref<1x1024xf32, #tpu.memory_space<vmem>>, vector<1x1024xf32>
    %mul3A = arith.constant 9.900000e-01 : f32
    %mul3A_15 = vector.broadcast %mul3A : f32 to vector<1x1024xf32>
    %mul3A_16 = arith.mulf %get3A_14, %mul3A_15 : vector<1x1024xf32>
    %mul3A_17 = arith.constant 0.00999999977 : f32
    %mul3A_18 = vector.broadcast %mul3A_17 : f32 to vector<1x1024xf32>
    %mul3A_19 = arith.mulf %mul3A_18, %broadcast_in_dim3A : vector<1x1024xf32>
    %add3A_20 = arith.addf %mul3A_16, %mul3A_19 : vector<1x1024xf32>
    %mul3A_21 = arith.constant -0.0100503359 : f32
    %mul3A_22 = arith.mulf %add3A_11, %mul3A_21 : f32
    %exp3A = math.exp %mul3A_22 : f32
    %sub3A = arith.constant 1.000000e+00 : f32
    %sub3A_23 = arith.subf %sub3A, %exp3A : f32
    %div3A = vector.broadcast %sub3A_23 : f32 to vector<1x1024xf32>
    %div3A_24 = arith.divf %add3A_20, %div3A : vector<1x1024xf32>
    %get3A_25 = arith.constant 0 : index
    %get3A_26 = arith.constant 0 : index
    %get3A_27 = vector.load %arg2[%get3A_25, %get3A_26] : memref<2064x256xf32, #tpu.memory_space<vmem>>, vector<1024x256xf32>
    %get3A_28 = arith.constant 1032 : index
    %get3A_29 = arith.constant 0 : index
    %get3A_30 = vector.load %arg2[%get3A_28, %get3A_29] : memref<2064x256xf32, #tpu.memory_space<vmem>>, vector<1024x256xf32>
    %add3A_31 = arith.addf %get3A_27, %get3A_30 : vector<1024x256xf32>
    %get3A_32 = arith.constant 0 : index
    %get3A_33 = arith.constant 0 : index
    %get3A_34 = memref.load %arg6[%get3A_32, %get3A_33] : memref<1x1xf32, #tpu.memory_space<smem>>
    %add3A_35 = arith.constant 1.000000e+00 : f32
    %add3A_36 = arith.addf %get3A_34, %add3A_35 : f32
    %get3A_37 = arith.constant 0 : index
    %get3A_38 = arith.constant 0 : index
    %get3A_39 = vector.load %arg5[%get3A_37, %get3A_38] : memref<1024x256xf32, #tpu.memory_space<vmem>>, vector<1024x256xf32>
    %mul3A_40 = arith.constant 9.900000e-01 : f32
    %mul3A_41 = vector.broadcast %mul3A_40 : f32 to vector<1024x256xf32>
    %mul3A_42 = arith.mulf %get3A_39, %mul3A_41 : vector<1024x256xf32>
    %mul3A_43 = arith.constant 0.00999999977 : f32
    %mul3A_44 = vector.broadcast %mul3A_43 : f32 to vector<1024x256xf32>
    %mul3A_45 = arith.mulf %mul3A_44, %add3A_31 : vector<1024x256xf32>
    %add3A_46 = arith.addf %mul3A_42, %mul3A_45 : vector<1024x256xf32>
    %mul3A_47 = arith.constant -0.0100503359 : f32
    %mul3A_48 = arith.mulf %add3A_36, %mul3A_47 : f32
    %exp3A_49 = math.exp %mul3A_48 : f32
    %sub3A_50 = arith.constant 1.000000e+00 : f32
    %sub3A_51 = arith.subf %sub3A_50, %exp3A_49 : f32
    %div3A_52 = vector.broadcast %sub3A_51 : f32 to vector<1024x256xf32>
    %div3A_53 = arith.divf %add3A_46, %div3A_52 : vector<1024x256xf32>
    %reduce_sum3A_54 = vector.shape_cast %div3A_24 : vector<1x1024xf32> to vector<1x1x1024xf32>
    %reduce_sum3A_55 = arith.constant dense<0.000000e+00> : vector<1xf32>
    %reduce_sum3A_56 = vector.multi_reduction <add>, %reduce_sum3A_54, %reduce_sum3A_55 [1, 2] : vector<1x1x1024xf32> to vector<1xf32>
    %reduce_sum3A_57 = vector.shape_cast %reduce_sum3A_56 : vector<1xf32> to vector<1x1x1xf32>
    %reduce_sum3A_58 = vector.extract %reduce_sum3A_57[0, 0, 0] : f32 from vector<1x1x1xf32>
    %add3A_59 = arith.constant 9.99999974E-6 : f32
    %add3A_60 = vector.broadcast %add3A_59 : f32 to vector<1x1024xf32>
    %add3A_61 = arith.addf %div3A_24, %add3A_60 : vector<1x1024xf32>
    %add3A_62 = arith.constant 1.024000e-02 : f32
    %add3A_63 = arith.addf %reduce_sum3A_58, %add3A_62 : f32
    %div3A_64 = vector.broadcast %add3A_63 : f32 to vector<1x1024xf32>
    %div3A_65 = arith.divf %add3A_61, %div3A_64 : vector<1x1024xf32>
    %mul3A_66 = vector.broadcast %reduce_sum3A_58 : f32 to vector<1x1024xf32>
    %mul3A_67 = arith.mulf %div3A_65, %mul3A_66 : vector<1x1024xf32>
    %div3A_68 = vector.broadcast %mul3A_67 : vector<1x1024xf32> to vector<784x1024xf32>
    %div3A_69 = arith.divf %convert_element_type3A_6, %div3A_68 : vector<784x1024xf32>
    %dot_general3A = arith.constant dense<0.000000e+00> : vector<784x256xf32>
    %dot_general3A_70 = tpu.matmul %div3A_69, %div3A_53, %dot_general3A {dimension_numbers = #tpu.dot_dimension_numbers<[1], [0], [0], [1], [0, 0, 1, 1], [], []>, transpose_lhs_hint = false} : vector<784x1024xf32>, vector<1024x256xf32>, vector<784x256xf32> -> vector<784x256xf32>
    %sub3A_71 = arith.subf %dot_general3A_70, %get3A_1 : vector<784x256xf32>
    %add3A_72 = arith.addf %get3A_1, %sub3A_71 : vector<784x256xf32>
    %swap3A = arith.constant 0 : index
    %swap3A_73 = arith.constant 0 : index
    %swap3A_74 = vector.load %arg7[%swap3A, %swap3A_73] : memref<784x256xf32, #tpu.memory_space<vmem>>, vector<784x256xf32>
    tpu.vector_store %arg7[%swap3A, %swap3A_73], %add3A_72 {strides = array<i32>} : memref<784x256xf32, #tpu.memory_space<vmem>>, vector<784x256xf32>,
    %sub3A_75 = arith.subf %get3A_1, %add3A_72 : vector<784x256xf32>
    %integer_pow3A = arith.mulf %sub3A_75, %sub3A_75 : vector<784x256xf32>
    %mul3A_76 = arith.constant 5.000000e-01 : f32
    %mul3A_77 = vector.broadcast %mul3A_76 : f32 to vector<784x256xf32>
    %mul3A_78 = arith.mulf %mul3A_77, %integer_pow3A : vector<784x256xf32>
    %reduce_sum3A_79 = vector.shape_cast %mul3A_78 : vector<784x256xf32> to vector<1x784x256xf32>
    %reduce_sum3A_80 = arith.constant dense<0.000000e+00> : vector<1xf32>
    %reduce_sum3A_81 = vector.multi_reduction <add>, %reduce_sum3A_79, %reduce_sum3A_80 [1, 2] : vector<1x784x256xf32> to vector<1xf32>
    %reduce_sum3A_82 = vector.shape_cast %reduce_sum3A_81 : vector<1xf32> to vector<1x1x1xf32>
    %reduce_sum3A_83 = vector.extract %reduce_sum3A_82[0, 0, 0] : f32 from vector<1x1x1xf32>
    %div3A_84 = arith.constant 2.007040e+05 : f32
    %div3A_85 = arith.divf %reduce_sum3A_83, %div3A_84 : f32
    %swap3A_86 = arith.constant 0 : index
    %swap3A_87 = arith.constant 0 : index
    %swap3A_88 = memref.load %arg8[%swap3A_86, %swap3A_87] : memref<1x1xf32, #tpu.memory_space<smem>>
    memref.store %div3A_85, %arg8[%swap3A_86, %swap3A_87] : memref<1x1xf32, #tpu.memory_space<smem>>
    return
  }
}

</mosaic_0001>

<sc_bundles>
// kernel: dw_scatter.3.cloned.1.call-start
scs
__scs_entry_jumppad:
0x0: {  	(pc) =	sbr.rel $0x88, $3  }
0x1: {  	(tag) =	ssettag $0x0;
	lr =	simm.s32 $0x1  }
0x2: {  	[smem:$0x3F9B] =	sst lr;
	_ =	strace $0xD0000000  }
0x3: {  	_ = 	snop  }
0x4: {  	_ = 	snop  }
0x5: {  	_ = 	snop  }
0x6: {  	_ = 	snop  }
0x7: {  	_ = 	snop  }
__scs_overlays_trampoline_lowered:
0x8: {  	[smem:$0x3FAA] =	sst s0  }
0x9: {  	[smem:$0x3FAB] =	sst s1  }
0xa: {  	[smem:$0x3FAC] =	sst s2  }
0xb: {  	[smem:$0x3FAD] =	sst s3  }
0xc: {  	[smem:$0x3FAE] =	sst s4  }
0xd: {  	[smem:$0x3FAF] =	sst s5  }
0xe: {  	[smem:$0x3FB0] =	sst s6  }
0xf: {  	[smem:$0x3FB1] =	sst s7  }
0x10: {  	[smem:$0x3FB2] =	sst s8  }
0x11: {  	[smem:$0x3FB3] =	sst s9;
	s0 =	simm.s32 @!p0 $0x0  }
0x12: {  	s1 =	sld [smem:$0x3F99];
	s0 =	simm.s32 @p0 $0x1  }
0x13: {  	[smem:$0x3FB4] =	sst s0;
	s0 =	simm.s32 @!p1 $0x0  }
0x14: {  	s2 =	sld [smem:$0x3F98];
	s0 =	simm.s32 @p1 $0x1  }
0x15: {  	[smem:$0x3FB5] =	sst s0;
	s0 =	simm.s32 @!p2 $0x0  }
0x16: {  	s3 =	sld [smem:$0x3FDB];
	s0 =	simm.s32 @p2 $0x1  }
0x17: {  	s4 =	simm.s32 $0x1BF5;
	[smem:$0x3FB7] =	sst s0  }
0x18: {  	s0 =	sld [smem:$0x3F9A];
	_ =	swait.ge [sflag:s4], $0x0  }
0x19: {  	s7 =	sld [smem:$0x3F9B]  }
0x1a: {  	s8 =	sadd.s32 $0xFFFFE003, lr  }
0x1b: {  	s9 =	sadd.s32 $0xFFFFFEF7, lr;
	s5 =	simm.s32 $0xFFFFFFFF;
	p2 =	slt.u32 s8, $0xFFFFF086  }
0x1c: {  	p1 =	slt.u32 s9, $0xF7A;
	s5 =	simm.s32 @!p2 $0x0  }
0x1d: {  	s5 =	simm.s32 @p1 $0x1;
	p0 =	seq.s32 s7, s2  }
0x1e: {  	s7 =	smul.u32 @!p0 $0xF7A, s2;
	p2 =	seq.s32 @!p0 s5, $0x0  }
0x1f: {  	s9 =	smul.u32 $0xF7A, s1;
	s8 =	simm.s32 @!p0 $0x1BF5;
	p2 =	por !p2, p0  }
0x20: {  	[sflag:s8] =	ssyncset.s32 @!p0 $0xFFFFF086;
	s6 =	sadd.s32 @!p0 s3, s7;
	s7 =	simm.s32 @!p0 $0x108  }
0x21: {  	s3 =	sadd.s32 s3, s9;
	s6 =	sadd.s32 @!p0 $0x88, s6;
	s7 =	simm.s32 @p2 $0x1082  }
0x22: {  	[simem:s7], [sflag:s8] =	dma.local @!p0 [hbm:s6], $0xF7A  }
0x23: {  	s9 =	sor.u32 $0xD0000000, s2;
	s6 =	simm.s32 $0x108;
	_ =	swait.ge @!p0 [sflag:s8], $0x0  }
0x24: {  	s3 =	sadd.s32 $0x88, s3;
	s6 =	simm.s32 @!p1 $0x1082;
	[sflag:s4] =	ssyncset.s32 $0xFFFFF086  }
0x25: {  	[simem:s6], [sflag:s4] =	dma.local [hbm:s3], $0xF7A  }
0x26: {  	[smem:$0x3F9B] =	sst s1;
	(tag) =	ssettag s2;
	_ =	strace s9  }
0x27: {  	s1 =	sld [smem:$0x3FAB]  }
0x28: {  	s2 =	sld [smem:$0x3FAC]  }
0x29: {  	s4 =	sld [smem:$0x3FAE]  }
0x2a: {  	p0 =	seq.s32 s5, $0x0;
	s5 =	sld [smem:$0x3FAF]  }
0x2b: {  	s6 =	sld [smem:$0x3FB0]  }
0x2c: {  	s7 =	sld [smem:$0x3FB1]  }
0x2d: {  	s3 =	simm.s32 $0x108;
	s8 =	sld [smem:$0x3FB2]  }
0x2e: {  	s3 =	simm.s32 @!p0 $0x1082;
	s9 =	sld [smem:$0x3FB3]  }
0x2f: {  	lr =	sadd.s32 s0, s3;
	s0 =	sld [smem:$0x3FAA]  }
0x30: {  	s3 =	sld [smem:$0x3FAD]  }
0x31: {  	[smem:$0x3FB6] =	sst s10  }
0x32: {  	s10 =	sld [smem:$0x3FB4];
	_ =	sdelay $0x3  }
0x33: {  	p0 =	seq.s32 s10, $0x1;
	s10 =	sld [smem:$0x3FB6];
	_ =	sdelay $0x3  }
0x34: {  	[smem:$0x3FB6] =	sst s10  }
0x35: {  	s10 =	sld [smem:$0x3FB5];
	_ =	sdelay $0x3  }
0x36: {  	p1 =	seq.s32 s10, $0x1;
	s10 =	sld [smem:$0x3FB6];
	_ =	sdelay $0x3  }
0x37: {  	[smem:$0x3FB6] =	sst s10  }
0x38: {  	s10 =	sld [smem:$0x3FB7]  }
0x39: {  	_ = 	snop;
	(pc) =	sbr.ind lr, $3  }
0x3a: {  	_ = 	snop  }
0x3b: {  	_ = 	snop  }
0x3c: {  	p2 =	seq.s32 s10, $0x1;
	s10 =	sld [smem:$0x3FB6]  }
0x3d: {  	_ =	shalt  }
0x3e: {  	_ =	shalt  }
0x3f: {  	_ =	shalt  }
0x40: {  	_ =	shalt  }
0x41: {  	_ =	shalt  }
0x42: {  	_ =	shalt  }
0x43: {  	_ =	shalt  }
0x44: {  	_ =	shalt  }
0x45: {  	_ =	shalt  }
0x46: {  	_ =	shalt  }
0x47: {  	_ =	shalt  }
0x48: {  	_ =	shalt  }
0x49: {  	_ =	shalt  }
0x4a: {  	_ =	shalt  }
0x4b: {  	_ =	shalt  }
0x4c: {  	_ =	shalt  }
0x4d: {  	_ =	shalt  }
0x4e: {  	_ =	shalt  }
0x4f: {  	_ =	shalt  }
0x50: {  	_ =	shalt  }
0x51: {  	_ =	shalt  }
0x52: {  	_ =	shalt  }
0x53: {  	_ =	shalt  }
0x54: {  	_ =	shalt  }
0x55: {  	_ =	shalt  }
0x56: {  	_ =	shalt  }
0x57: {  	_ =	shalt  }
0x58: {  	_ =	shalt  }
0x59: {  	_ =	shalt  }
0x5a: {  	_ =	shalt  }
0x5b: {  	_ =	shalt  }
0x5c: {  	_ =	shalt  }
0x5d: {  	_ =	shalt  }
0x5e: {  	_ =	shalt  }
0x5f: {  	_ =	shalt  }
0x60: {  	_ =	shalt  }
0x61: {  	_ =	shalt  }
0x62: {  	_ =	shalt  }
0x63: {  	_ =	shalt  }
0x64: {  	_ =	shalt  }
0x65: {  	_ =	shalt  }
0x66: {  	_ =	shalt  }
0x67: {  	_ =	shalt  }
0x68: {  	_ =	shalt  }
0x69: {  	_ =	shalt  }
0x6a: {  	_ =	shalt  }
0x6b: {  	_ =	shalt  }
0x6c: {  	_ =	shalt  }
0x6d: {  	_ =	shalt  }
0x6e: {  	_ =	shalt  }
0x6f: {  	_ =	shalt  }
0x70: {  	_ =	shalt  }
0x71: {  	_ =	shalt  }
0x72: {  	_ =	shalt  }
0x73: {  	_ =	shalt  }
0x74: {  	_ =	shalt  }
0x75: {  	_ =	shalt  }
0x76: {  	_ =	shalt  }
0x77: {  	_ =	shalt  }
0x78: {  	_ =	shalt  }
0x79: {  	_ =	shalt  }
0x7a: {  	_ =	shalt  }
0x7b: {  	_ =	shalt  }
0x7c: {  	_ =	shalt  }
0x7d: {  	_ =	shalt  }
0x7e: {  	_ =	shalt  }
0x7f: {  	_ =	shalt  }
0x80: {  	_ =	shalt  }
0x81: {  	_ =	shalt  }
0x82: {  	_ =	shalt  }
0x83: {  	_ =	shalt  }
0x84: {  	_ =	shalt  }
0x85: {  	_ =	shalt  }
0x86: {  	_ =	shalt  }
0x87: {  	_ =	shalt  }
.Lfunc_end0:
.L_simem_size_0:
called_computation_lowered:
.L_overlay_start_0:
0x88: {  	s2 =	sld [smem:$0x3FD9]  }
0x89: {  	s3 =	sld [smem:$0x3FFE];
	_ =	sdelay $0x1  }
0x8a: {  	s1 =	srdreg.scid  }
0x8b: {  	s0 =	sand.u32 $0x1, s1  }
0x8c: {  	s14 =	sshll.u32 s0, $0xA;
	s2 =	sadd.s32 s3, s2  }
0x8d: {  	s2 =	sadd.s32 s2, s14  }
0x8e: {  	[smem:$0x3FC2] =	sst s2  }
0x8f: {  	_ = 	snop  }
0x90: {  	s2 =	sld [smem:$0x3FD0];
	_ =	sdelay $0x2  }
0x91: {  	s15 =	simm.s32 $0xA;
	s4 =	simm.s32 $0x10  }
0x92: {  	[smem:s4], [sflag:s15] =	dma.local [hbm:s2], $0x1  }
0x93: {  	_ =	swait.eq [sflag:s15], $0x1  }
0x94: {  	[sflag:s15] =	ssyncset.done $0x0  }
0x95: {  	[sflag:s15] =	ssyncadd.s32 $0xFFFFFFFF  }
0x96: {  	s16 =	sld [smem:$0x10];
	(tm) =	ssettm $0x1  }
0x97: {  	s17 =	sld [smem:$0x3FFB];
	_ =	sdelay $0x3  }
0x98: {  	_ =	strace s17  }
0x99: {  	s3 =	sld [smem:$0x3FFC];
	_ =	sdelay $0x3  }
0x9a: {  	_ =	strace s3  }
0x9b: {  	s3 =	sld [smem:$0x3FFD];
	_ =	sdelay $0x3  }
0x9c: {  	_ =	strace s3  }
0x9d: {  	_ =	strace $0x8FFFFFFF  }
0x9e: {  	s18 =	sld [smem:$0x3FDB];
	_ =	sdelay $0x1  }
0x9f: {  	s19 =	simm.s32 $_scs_section_size  }
0xa0: {  	s5 =	simm.s32 $_size__tile_overlayer_lowered;
	s6 =	simm.s32 $_tile_overlayer_lowered  }
0xa1: {  	s22 =	simm.s32 $0x1BFF;
	s21 =	sshll.u32 s6, $0x1;
	s3 =	sadd.s32 s19, s18  }
0xa2: {  	s7 =	simm.s32 $0x0;
	s20 =	sshll.u32 s5, $0x1;
	s5 =	sadd.s32 s21, s3  }
0xa3: {  	[timem:s7], [sflag:s22] =	dma.local [hbm:s5], s20  }
0xa4: {  	_ =	swait.ge [sflag:s22], s20  }
0xa5: {  	s4 =	ssub.s32 $0x0, s20;
	[sflag:s22] =	ssyncset.done $0x0  }
0xa6: {  	[sflag:s22] =	ssyncadd.s32 s4;
	_ =	sdelay $0x1  }
0xa7: {  	s23 =	simm.s32 $0x1B8B  }
0xa8: {  	_ =	swait.ge [sflag:s23], $0x1  }
0xa9: {  	[sflag:s23] =	ssyncset.done $0x0  }
0xaa: {  	s25 =	simm.s32 $0x1B8E;
	s24 =	sld [smem:$0x3FFE];
	[sflag:s23] =	ssyncadd.s32 $0xFFFFFFFF  }
0xab: {  	s26 =	simm.s32 $execute0_lowered;
	[smem:$0x3FD2] =	sst s25  }
0xac: {  	s5 =	sshll.u32 s26, $0x1;
	_ =	strace $0x80000046;
	[dreg:$0x1] =	wrdreg $0xFFFFFFFF  }
0xad: {  	s28 =	simm.s32 $_size_execute0_lowered;
	s3 =	sadd.s32 s3, s5;
	[dreg:$0x0] =	wrdreg $0x0  }
0xae: {  	s5 =	sshll.u32 s28, $0x1;
	[dreg:$0x2] =	wrdreg s3  }
0xaf: {  	[dreg:$0x3] =	wrdreg s5  }
0xb0: {  	[dreg:$0x4] =	wrdreg $0xC0  }
0xb1: {  	_ =	task [dreg:s7], $0x5FFFF  }
0xb2: {  	[dreg:$0x1] =	wrdreg $0xFFFFFFFF  }
0xb3: {  	[dreg:$0x0] =	wrdreg $0x60  }
0xb4: {  	[dreg:$0x2] =	wrdreg s24  }
0xb5: {  	[dreg:$0x3] =	wrdreg s16  }
0xb6: {  	[dreg:$0x4] =	wrdreg $0x9  }
0xb7: {  	_ =	task.clear_ibuf [dreg:s7], $0x5FFFF;
	_ =	strace $0x90000046  }
0xb8: {  	s29 =	simm.s32 $0x9;
	_ =	strace $0x80000048  }
0xb9: {  	_ =	swait.ge [sflag:s29], $0x1  }
0xba: {  	[sflag:s29] =	ssyncadd.s32 $0xFFFFFFFF  }
0xbb: {  	_ =	strace $0x90000048  }
0xbc: {  	_ =	sfence  }
0xbd: {  	s30 =	sld [smem:$0x0];
	_ =	sdelay $0x2  }
0xbe: {  	s31 =	sshll.u32 s1, $0xD;
	s1 =	sshrl.u32 s1, $0x2  }
0xbf: {  	s3 =	sand.u32 $0x4000, s31;
	s1 =	sadd.s32 s1, s30  }
0xc0: {  	s0 =	sor.u32 s3, s0;
	s1 =	sshll.u32 s1, $0x11  }
0xc1: {  	s0 =	sor.u32 s1, s0  }
0xc2: {  	s0 =	sadd.s32 $0x8F2B, s0  }
0xc3: {  	[sflag:s0] =	ssyncadd.remote.s32 $0x1  }
0xc4: {  	_ =	sfence.sel $0xFFFF  }
0xc5: {  	[dreg:$0x0] =	wrdreg $0xFFFFFFFF;
	(pc) =	sbr.abs _section_cstart, $3  }
0xc6: {  	[dreg:$0x1] =	wrdreg $0xFFFFFFFF  }
0xc7: {  	_ =	task.clear_ibuf [dreg:s7], $0x2FFFF;
	_ =	strace $0x9FFFFFFF  }
0xc8: {  	(tm) =	ssettm $0x7FFFFFFF  }
0xc9: {  	_ =	shalt  }
tec
execute0_lowered:
.L_overlay_start_1:
0x0: {  	(tag) =	ssettag $0x1  }
0x1: {  	s5 =	rddreg [dreg:$0x0]  }
0x2: {  	s4 =	rddreg [dreg:$0x1]  }
0x3: {  	s0 =	rddreg [dreg:$0x2]  }
0x4: {  	s1 =	stileid.u32;
	s2 =	simm.s32 $0x0;
	s3 =	srdreg.scid  }
0x5: {  	s11 =	simm.s32 $0x1A90;
	s12 =	simm.s32 $0x1;
	s6 =	sshll.u32 s1, $0x1  }
0x6: {  	s7 =	sand.u32 $0x1, s3;
	s9 =	sshrl.u32 s1, $0x3;
	[smem:$0x7FF] =	sst s2  }
0x7: {  	s3 =	sadd.s32 $0xA00, s5;
	s30 =	sand.u32 $0xE, s6;
	s8 =	smul.u32 $0x40800, s9  }
0x8: {  	_ =	strace $0x80000047;
	p0 =	sne.s32 s9, $0x0;
	s6 =	sor.u32 s7, s30  }
0x9: {  	s9 =	simm.s32 $0x10;
	s7 =	ssub.s32 $0x2, s7;
	s10 =	sshll.u32 s6, $0x4  }
0xa: {  	s31 =	sshrl.u32 s7, $0x1;
	s6 =	sshll.u32 s6, $0x1;
	s8 =	sor.u32 s8, s10  }
0xb: {  	s10 =	ssub.s32 s7, s31;
	s4 =	sadd.s32 s4, s6;
	s8 =	sshrl.u32 s8, $0x3  }
0xc: {  	s6 =	sadd.s32 $0x3200, s4;
	s8 =	sadd.s32 s8, s5;
	s5 =	sadd.s32 $0xA32, s5  }
0xd: {  	v0 =	vimm.f32 $0.0e+00;
	s7 =	sadd.s32 $0xC00, s8;
	s8 =	smax.u32 s10, $0x1;
	s10 =	simm.s32 $0x100  }
.LBB2_1:
0xe: {  	s13 =	simm.s32 @p0 $0x0  }
0xf: {  	[tilespmem:s13], [sflag:$0x1] =	stream.linear.gather @p0 [hbm4b:s5+s13], $0x180, $0x38;
	[tilespmem:$0x5B10] =	vst v63  }
0x10: {  	s13 =	simm.s32 @p0 $0x1  }
0x11: {  	_ =	swait.ge @p0 [sflag:s13], $0x180  }
0x12: {  	s14 =	simm.s32 @p0 $0x10;
	[sflag:s13] =	ssyncset.done @p0 $0x0  }
0x13: {  	s15 =	simm.s32 @p0 $0x100;
	s16 =	simm.s32 @p0 $0x190;
	[sflag:s13] =	ssyncadd.s32 @p0 $0xFFFFFE80  }
0x14: {  	[tilespmem:s16], [sflag:$0x1] =	stream.strided.gather @p0 [hbm4b:s6+s14], $0x1800, s15, s14, $0x38;
	[tilespmem:$0x5B10] =	vst v63  }
0x15: {  	_ =	swait.ge @p0 [sflag:s13], $0x1800  }
0x16: {  	[sflag:s13] =	ssyncset.done @p0 $0x0  }
0x17: {  	v1 =	vimm.s32 @p0 $0x400;
	[sflag:s13] =	ssyncadd.s32 @p0 $0xFFFFE800  }
0x18: {  	s13 =	simm.s32 @!p0 $0x0;
	[tilespmem:$0x180] =	vst @p0 v1  }
0x19: {  	[tilespmem:s13], [sflag:$0x1] =	stream.linear.gather @!p0 [hbm4b:s3+s13], $0x190, $0x38;
	[tilespmem:$0x5B10] =	vst v63  }
0x1a: {  	s13 =	simm.s32 @!p0 $0x1  }
0x1b: {  	_ =	swait.ge @!p0 [sflag:s13], $0x190  }
0x1c: {  	s14 =	simm.s32 @!p0 $0x10;
	[sflag:s13] =	ssyncset.done @!p0 $0x0  }
0x1d: {  	s15 =	simm.s32 @!p0 $0x100;
	s16 =	simm.s32 @!p0 $0x190;
	[sflag:s13] =	ssyncadd.s32 @!p0 $0xFFFFFE70  }
0x1e: {  	[tilespmem:s16], [sflag:$0x1] =	stream.strided.gather @!p0 [hbm4b:s4+s14], $0x1900, s15, s14, $0x38;
	[tilespmem:$0x5B10] =	vst v63  }
0x1f: {  	_ =	swait.ge @!p0 [sflag:s13], $0x1900  }
0x20: {  	[sflag:s13] =	ssyncset.done @!p0 $0x0  }
0x21: {  	s14 =	simm.s32 $0x200;
	[sflag:s13] =	ssyncadd.s32 @!p0 $0xFFFFE700;
	s13 =	simm.s32 $0x0  }
.LBB2_2:
0x22: {  	p1 =	sne.s32 s14, $0x10000;
	[tilespmem:s13+$0x1B00] =	vst v0  }
0x23: {  	[tilespmem:s13+$0x1A90] =	vst v0  }
0x24: {  	[tilespmem:s13+$0x1AA0] =	vst v0  }
.Ltmp0:
0x25: {  	[tilespmem:s13+$0x1AB0] =	vst v0;
	(pc) =	sbr.rel @p1 .LBB2_2-.Ltmp0, $4  }
0x26: {  	[tilespmem:s13+$0x1AC0] =	vst v0  }
0x27: {  	[tilespmem:s13+$0x1AD0] =	vst v0  }
0x28: {  	[tilespmem:s13+$0x1AE0] =	vst v0  }
0x29: {  	[tilespmem:s13+$0x1AF0] =	vst v0;
	s13 =	sshra.s32 s14, $0x2;
	s14 =	sadd.s32 $0x200, s14  }
0x2a: {  	[tilespmem:s13+$0x1B00] =	vst v0  }
0x2b: {  	[tilespmem:s13+$0x1A90] =	vst v0  }
0x2c: {  	[tilespmem:s13+$0x1AA0] =	vst v0  }
0x2d: {  	[tilespmem:s13+$0x1AB0] =	vst v0  }
0x2e: {  	[tilespmem:s13+$0x1AC0] =	vst v0  }
0x2f: {  	[tilespmem:s13+$0x1AD0] =	vst v0  }
0x30: {  	[tilespmem:s13+$0x1AE0] =	vst v0  }
0x31: {  	[tilespmem:s13+$0x1AF0] =	vst v0;
	s16 =	simm.s32 $0x0  }
0x32: {  	v1 =	vld [tilespmem:s16+$0x0];
	_ =	sdelay $0x4  }
0x33: {  	v1 =	vshll.u32 v1, $0x6  }
0x34: {  	v1 =	vshra.s32 v1, $0x2  }
0x35: {  	v1 =	vadd.s32 $0x1A90, v1  }
0x36: {  	(v2sf) =	vpush v1, $0x0;
	_ =	sdelay $0x5  }
0x37: {  	(v2sf) =	vpush v1, $0x1;
	_ =	sdelay $0x3  }
0x38: {  	s13 =	simm.s32 $0x210  }
0x39: {  	v2 =	vld [tilespmem:s13+$0xFFFFFF80]  }
0x3a: {  	(v2sf) =	vpush v1, $0x2;
	_ =	sdelay $0x2  }
0x3b: {  	s14 =	spop (v2sf)  }
0x3c: {  	[tilespmem:s14+$0x0] =	vst.add.f32.msk $0xffff, v2  }
0x3d: {  	v2 =	vld [tilespmem:s13+$0xFFFFFF90]  }
0x3e: {  	(v2sf) =	vpush v1, $0x3;
	_ =	sdelay $0x2  }
0x3f: {  	s17 =	spop (v2sf)  }
0x40: {  	[tilespmem:s17+$0x0] =	vst.add.f32.msk $0xffff, v2  }
0x41: {  	v2 =	vld [tilespmem:s13+$0xFFFFFFA0]  }
0x42: {  	(v2sf) =	vpush v1, $0x4;
	_ =	sdelay $0x2  }
0x43: {  	s18 =	spop (v2sf)  }
0x44: {  	[tilespmem:s18+$0x0] =	vst.add.f32.msk $0xffff, v2  }
0x45: {  	v2 =	vld [tilespmem:s13+$0xFFFFFFB0]  }
0x46: {  	(v2sf) =	vpush v1, $0x5;
	_ =	sdelay $0x2  }
0x47: {  	s19 =	spop (v2sf)  }
0x48: {  	[tilespmem:s19+$0x0] =	vst.add.f32.msk $0xffff, v2  }
0x49: {  	v2 =	vld [tilespmem:s13+$0xFFFFFFC0]  }
0x4a: {  	(v2sf) =	vpush v1, $0x6;
	_ =	sdelay $0x2  }
0x4b: {  	s20 =	spop (v2sf)  }
0x4c: {  	[tilespmem:s20+$0x0] =	vst.add.f32.msk $0xffff, v2  }
0x4d: {  	v2 =	vld [tilespmem:s13+$0xFFFFFFD0]  }
0x4e: {  	(v2sf) =	vpush v1, $0x7;
	_ =	sdelay $0x2  }
0x4f: {  	s21 =	spop (v2sf)  }
0x50: {  	[tilespmem:s21+$0x0] =	vst.add.f32.msk $0xffff, v2  }
0x51: {  	v2 =	vld [tilespmem:s13+$0xFFFFFFE0]  }
0x52: {  	(v2sf) =	vpush v1, $0x8;
	_ =	sdelay $0x2  }
0x53: {  	s22 =	spop (v2sf)  }
0x54: {  	[tilespmem:s22+$0x0] =	vst.add.f32.msk $0xffff, v2  }
0x55: {  	v2 =	vld [tilespmem:s13+$0xFFFFFFF0]  }
0x56: {  	(v2sf) =	vpush v1, $0x9;
	_ =	sdelay $0x2  }
0x57: {  	s23 =	spop (v2sf)  }
0x58: {  	[tilespmem:s23+$0x0] =	vst.add.f32.msk $0xffff, v2  }
0x59: {  	v2 =	vld [tilespmem:s13+$0x0]  }
0x5a: {  	(v2sf) =	vpush v1, $0xA;
	_ =	sdelay $0x2  }
0x5b: {  	s24 =	spop (v2sf)  }
0x5c: {  	[tilespmem:s24+$0x0] =	vst.add.f32.msk $0xffff, v2  }
0x5d: {  	v2 =	vld [tilespmem:s13+$0x10]  }
0x5e: {  	(v2sf) =	vpush v1, $0xB;
	_ =	sdelay $0x2  }
0x5f: {  	s25 =	spop (v2sf)  }
0x60: {  	[tilespmem:s25+$0x0] =	vst.add.f32.msk $0xffff, v2  }
0x61: {  	v2 =	vld [tilespmem:s13+$0x20]  }
0x62: {  	(v2sf) =	vpush v1, $0xC;
	_ =	sdelay $0x2  }
0x63: {  	s26 =	spop (v2sf)  }
0x64: {  	[tilespmem:s26+$0x0] =	vst.add.f32.msk $0xffff, v2  }
0x65: {  	v2 =	vld [tilespmem:s13+$0x30]  }
0x66: {  	(v2sf) =	vpush v1, $0xD;
	_ =	sdelay $0x2  }
0x67: {  	s28 =	spop (v2sf)  }
0x68: {  	[tilespmem:s28+$0x0] =	vst.add.f32.msk $0xffff, v2  }
0x69: {  	v2 =	vld [tilespmem:s13+$0x40]  }
0x6a: {  	(v2sf) =	vpush v1, $0xE;
	_ =	sdelay $0x2  }
0x6b: {  	s29 =	spop (v2sf)  }
0x6c: {  	[tilespmem:s29+$0x0] =	vst.add.f32.msk $0xffff, v2  }
0x6d: {  	(v2sf) =	vpush v1, $0xF;
	v1 =	vld [tilespmem:s13+$0x50];
	_ =	sdelay $0x3  }
0x6e: {  	s30 =	spop (v2sf)  }
0x6f: {  	[tilespmem:s30+$0x0] =	vst.add.f32.msk $0xffff, v1  }
0x70: {  	v1 =	vld [tilespmem:s13+$0x60];
	_ =	sdelay $0x3  }
0x71: {  	s31 =	spop (v2sf)  }
0x72: {  	[tilespmem:s31+$0x0] =	vst.add.f32.msk $0xffff, v1  }
0x73: {  	v1 =	vld [tilespmem:s13+$0x70];
	_ =	sdelay $0x2  }
0x74: {  	s16 =	simm.s32 $0x80;
	s14 =	simm.s32 $0x40;
	s17 =	spop (v2sf)  }
.LBB2_4:
0x75: {  	s18 =	sshra.s32 s14, $0x2  }
0x76: {  	[tilespmem:s17+$0x0] =	vst.add.f32.msk $0xffff, v1;
	s13 =	sadd.s32 $0x100, s13;
	s14 =	smov.u32 s16;
	s15 =	sadd.s32 $0x40, s16  }
0x77: {  	p1 =	sne.s32 s16, $0x600;
	v1 =	vld [tilespmem:s18+$0x0];
	_ =	sdelay $0x4  }
0x78: {  	v1 =	vshll.u32 v1, $0x6  }
0x79: {  	v1 =	vshra.s32 v1, $0x2  }
0x7a: {  	v1 =	vadd.s32 $0x1A90, v1  }
0x7b: {  	(v2sf) =	vpush v1, $0x0;
	_ =	sdelay $0x5  }
0x7c: {  	(v2sf) =	vpush v1, $0x1;
	_ =	sdelay $0x4  }
0x7d: {  	v2 =	vld [tilespmem:s13+$0xFFFFFF80]  }
0x7e: {  	(v2sf) =	vpush v1, $0x2;
	_ =	sdelay $0x2  }
0x7f: {  	s16 =	spop (v2sf)  }
0x80: {  	[tilespmem:s16+$0x0] =	vst.add.f32.msk $0xffff, v2  }
0x81: {  	v2 =	vld [tilespmem:s13+$0xFFFFFF90]  }
0x82: {  	(v2sf) =	vpush v1, $0x3;
	_ =	sdelay $0x2  }
0x83: {  	s16 =	spop (v2sf)  }
0x84: {  	[tilespmem:s16+$0x0] =	vst.add.f32.msk $0xffff, v2  }
0x85: {  	v2 =	vld [tilespmem:s13+$0xFFFFFFA0]  }
0x86: {  	(v2sf) =	vpush v1, $0x4;
	_ =	sdelay $0x2  }
0x87: {  	s16 =	spop (v2sf)  }
0x88: {  	[tilespmem:s16+$0x0] =	vst.add.f32.msk $0xffff, v2  }
0x89: {  	v2 =	vld [tilespmem:s13+$0xFFFFFFB0]  }
0x8a: {  	(v2sf) =	vpush v1, $0x5;
	_ =	sdelay $0x2  }
0x8b: {  	s16 =	spop (v2sf)  }
0x8c: {  	[tilespmem:s16+$0x0] =	vst.add.f32.msk $0xffff, v2  }
0x8d: {  	v2 =	vld [tilespmem:s13+$0xFFFFFFC0]  }
0x8e: {  	(v2sf) =	vpush v1, $0x6;
	_ =	sdelay $0x2  }
0x8f: {  	s16 =	spop (v2sf)  }
0x90: {  	[tilespmem:s16+$0x0] =	vst.add.f32.msk $0xffff, v2  }
0x91: {  	v2 =	vld [tilespmem:s13+$0xFFFFFFD0]  }
0x92: {  	(v2sf) =	vpush v1, $0x7;
	_ =	sdelay $0x2  }
0x93: {  	s16 =	spop (v2sf)  }
0x94: {  	[tilespmem:s16+$0x0] =	vst.add.f32.msk $0xffff, v2  }
0x95: {  	v2 =	vld [tilespmem:s13+$0xFFFFFFE0]  }
0x96: {  	(v2sf) =	vpush v1, $0x8;
	_ =	sdelay $0x2  }
0x97: {  	s16 =	spop (v2sf)  }
0x98: {  	[tilespmem:s16+$0x0] =	vst.add.f32.msk $0xffff, v2  }
0x99: {  	v2 =	vld [tilespmem:s13+$0xFFFFFFF0]  }
0x9a: {  	(v2sf) =	vpush v1, $0x9;
	_ =	sdelay $0x2  }
0x9b: {  	s16 =	spop (v2sf)  }
0x9c: {  	[tilespmem:s16+$0x0] =	vst.add.f32.msk $0xffff, v2  }
0x9d: {  	v2 =	vld [tilespmem:s13+$0x0]  }
0x9e: {  	(v2sf) =	vpush v1, $0xA;
	_ =	sdelay $0x2  }
0x9f: {  	s16 =	spop (v2sf)  }
0xa0: {  	[tilespmem:s16+$0x0] =	vst.add.f32.msk $0xffff, v2  }
0xa1: {  	v2 =	vld [tilespmem:s13+$0x10]  }
0xa2: {  	(v2sf) =	vpush v1, $0xB;
	_ =	sdelay $0x2  }
0xa3: {  	s16 =	spop (v2sf)  }
0xa4: {  	[tilespmem:s16+$0x0] =	vst.add.f32.msk $0xffff, v2  }
0xa5: {  	v2 =	vld [tilespmem:s13+$0x20]  }
0xa6: {  	(v2sf) =	vpush v1, $0xC;
	_ =	sdelay $0x2  }
0xa7: {  	s16 =	spop (v2sf)  }
0xa8: {  	[tilespmem:s16+$0x0] =	vst.add.f32.msk $0xffff, v2  }
0xa9: {  	v2 =	vld [tilespmem:s13+$0x30]  }
0xaa: {  	(v2sf) =	vpush v1, $0xD;
	_ =	sdelay $0x2  }
0xab: {  	s16 =	spop (v2sf)  }
0xac: {  	[tilespmem:s16+$0x0] =	vst.add.f32.msk $0xffff, v2  }
0xad: {  	v2 =	vld [tilespmem:s13+$0x40]  }
0xae: {  	(v2sf) =	vpush v1, $0xE;
	_ =	sdelay $0x2  }
0xaf: {  	s16 =	spop (v2sf)  }
0xb0: {  	[tilespmem:s16+$0x0] =	vst.add.f32.msk $0xffff, v2  }
0xb1: {  	v2 =	vld [tilespmem:s13+$0x50]  }
0xb2: {  	(v2sf) =	vpush v1, $0xF;
	_ =	sdelay $0x2  }
0xb3: {  	s16 =	spop (v2sf)  }
0xb4: {  	[tilespmem:s16+$0x0] =	vst.add.f32.msk $0xffff, v2  }
0xb5: {  	v1 =	vld [tilespmem:s13+$0x60];
	_ =	sdelay $0x3  }
0xb6: {  	s16 =	spop (v2sf)  }
0xb7: {  	[tilespmem:s16+$0x0] =	vst.add.f32.msk $0xffff, v1  }
.Ltmp1:
0xb8: {  	v1 =	vld [tilespmem:s13+$0x70];
	(pc) =	sbr.rel @p1 .LBB2_4-.Ltmp1, $2  }
0xb9: {  	_ =	sdelay $0x2  }
0xba: {  	s16 =	smov.u32 s15;
	s17 =	spop (v2sf)  }
0xbb: {  	s14 =	sshra.s32 s14, $0x2;
	[tilespmem:s17+$0x0] =	vst.add.f32.msk $0xffff, v1  }
0xbc: {  	v1 =	vld [tilespmem:s14+$0x0];
	_ =	sdelay $0x4  }
0xbd: {  	v1 =	vshll.u32 v1, $0x6  }
0xbe: {  	v1 =	vshra.s32 v1, $0x2  }
0xbf: {  	v1 =	vadd.s32 $0x1A90, v1  }
0xc0: {  	(v2sf) =	vpush v1, $0x0;
	_ =	sdelay $0x5  }
0xc1: {  	(v2sf) =	vpush v1, $0x1;
	_ =	sdelay $0x3  }
0xc2: {  	s13 =	sadd.s32 $0x100, s13  }
0xc3: {  	v2 =	vld [tilespmem:s13+$0xFFFFFF80]  }
0xc4: {  	(v2sf) =	vpush v1, $0x2;
	_ =	sdelay $0x2  }
0xc5: {  	s15 =	spop (v2sf)  }
0xc6: {  	[tilespmem:s15+$0x0] =	vst.add.f32.msk $0xffff, v2  }
0xc7: {  	v2 =	vld [tilespmem:s13+$0xFFFFFF90]  }
0xc8: {  	(v2sf) =	vpush v1, $0x3;
	_ =	sdelay $0x2  }
0xc9: {  	s16 =	spop (v2sf)  }
0xca: {  	[tilespmem:s16+$0x0] =	vst.add.f32.msk $0xffff, v2  }
0xcb: {  	v2 =	vld [tilespmem:s13+$0xFFFFFFA0]  }
0xcc: {  	(v2sf) =	vpush v1, $0x4;
	_ =	sdelay $0x2  }
0xcd: {  	s17 =	spop (v2sf)  }
0xce: {  	[tilespmem:s17+$0x0] =	vst.add.f32.msk $0xffff, v2  }
0xcf: {  	v2 =	vld [tilespmem:s13+$0xFFFFFFB0]  }
0xd0: {  	(v2sf) =	vpush v1, $0x5;
	_ =	sdelay $0x2  }
0xd1: {  	s18 =	spop (v2sf)  }
0xd2: {  	[tilespmem:s18+$0x0] =	vst.add.f32.msk $0xffff, v2  }
0xd3: {  	v2 =	vld [tilespmem:s13+$0xFFFFFFC0]  }
0xd4: {  	(v2sf) =	vpush v1, $0x6;
	_ =	sdelay $0x2  }
0xd5: {  	s19 =	spop (v2sf)  }
0xd6: {  	[tilespmem:s19+$0x0] =	vst.add.f32.msk $0xffff, v2  }
0xd7: {  	v2 =	vld [tilespmem:s13+$0xFFFFFFD0]  }
0xd8: {  	(v2sf) =	vpush v1, $0x7;
	_ =	sdelay $0x2  }
0xd9: {  	s20 =	spop (v2sf)  }
0xda: {  	[tilespmem:s20+$0x0] =	vst.add.f32.msk $0xffff, v2  }
0xdb: {  	v2 =	vld [tilespmem:s13+$0xFFFFFFE0]  }
0xdc: {  	(v2sf) =	vpush v1, $0x8;
	_ =	sdelay $0x2  }
0xdd: {  	s21 =	spop (v2sf)  }
0xde: {  	[tilespmem:s21+$0x0] =	vst.add.f32.msk $0xffff, v2  }
0xdf: {  	v2 =	vld [tilespmem:s13+$0xFFFFFFF0]  }
0xe0: {  	(v2sf) =	vpush v1, $0x9;
	_ =	sdelay $0x2  }
0xe1: {  	s22 =	spop (v2sf)  }
0xe2: {  	[tilespmem:s22+$0x0] =	vst.add.f32.msk $0xffff, v2  }
0xe3: {  	v2 =	vld [tilespmem:s13+$0x0]  }
0xe4: {  	(v2sf) =	vpush v1, $0xA;
	_ =	sdelay $0x2  }
0xe5: {  	s23 =	spop (v2sf)  }
0xe6: {  	[tilespmem:s23+$0x0] =	vst.add.f32.msk $0xffff, v2  }
0xe7: {  	v2 =	vld [tilespmem:s13+$0x10]  }
0xe8: {  	(v2sf) =	vpush v1, $0xB;
	_ =	sdelay $0x2  }
0xe9: {  	s24 =	spop (v2sf)  }
0xea: {  	[tilespmem:s24+$0x0] =	vst.add.f32.msk $0xffff, v2  }
0xeb: {  	v2 =	vld [tilespmem:s13+$0x20]  }
0xec: {  	(v2sf) =	vpush v1, $0xC;
	_ =	sdelay $0x2  }
0xed: {  	s25 =	spop (v2sf)  }
0xee: {  	[tilespmem:s25+$0x0] =	vst.add.f32.msk $0xffff, v2  }
0xef: {  	v2 =	vld [tilespmem:s13+$0x30]  }
0xf0: {  	(v2sf) =	vpush v1, $0xD;
	_ =	sdelay $0x2  }
0xf1: {  	s26 =	spop (v2sf)  }
0xf2: {  	[tilespmem:s26+$0x0] =	vst.add.f32.msk $0xffff, v2  }
0xf3: {  	v2 =	vld [tilespmem:s13+$0x40]  }
0xf4: {  	(v2sf) =	vpush v1, $0xE;
	_ =	sdelay $0x2  }
0xf5: {  	s28 =	spop (v2sf)  }
0xf6: {  	[tilespmem:s28+$0x0] =	vst.add.f32.msk $0xffff, v2  }
0xf7: {  	v2 =	vld [tilespmem:s13+$0x50]  }
0xf8: {  	(v2sf) =	vpush v1, $0xF;
	_ =	sdelay $0x2  }
0xf9: {  	s29 =	spop (v2sf)  }
0xfa: {  	[tilespmem:s29+$0x0] =	vst.add.f32.msk $0xffff, v2  }
0xfb: {  	v1 =	vld [tilespmem:s13+$0x60];
	_ =	sdelay $0x3  }
0xfc: {  	s30 =	spop (v2sf)  }
0xfd: {  	[tilespmem:s30+$0x0] =	vst.add.f32.msk $0xffff, v1  }
0xfe: {  	v1 =	vld [tilespmem:s13+$0x70];
	_ =	sdelay $0x2  }
0xff: {  	s2 =	sadd.s32 $0x1, s2  }
0x100: {  	p1 =	sne.s32 s2, s8;
	s31 =	spop (v2sf)  }
.Ltmp2:
0x101: {  	[tilespmem:s31+$0x0] =	vst.add.f32.msk $0xffff, v1;
	(pc) =	sbr.rel @p1 .LBB2_1-.Ltmp2, $4  }
0x102: {  	[hbm4b:s7+s9] =	stream.strided.scatter [tilespmem:s11], [sflag:$0x1], $0x4080, s10, s9, $0x38;
	[tilespmem:$0x5B10] =	vst v63  }
0x103: {  	_ =	swait.ge [sflag:s12], $0x4080  }
0x104: {  	[sflag:s12] =	ssyncset.done $0x0  }
0x105: {  	[sflag:s12] =	ssyncadd.s32 $0xFFFFBF80  }
0x106: {  	_ =	sfence.sel $0x180000  }
0x107: {  	[bflag:$0x0] =	sbarrier.arrive $0xFFFF  }
0x108: {  	p0 =	sne.s32 s1, $0x0;
	_ =	strace $0x90000047  }
0x109: {  	s0 =	sadd.s32 @!p0 $0x100000, s0;
	[bflag:$0x2] =	sbarrier.arrive $0xFFFF  }
0x10a: {  	[sflag:s0] =	ssyncadd.tile.s32 @!p0 $0x1;
	_ =	shalt  }
.Lfunc_end2:
_tile_overlayer_lowered:
.L_overlay_start_2:
0x10b: {  	(tag) =	ssettag $0x2  }
0x10c: {  	s0 =	rddreg [dreg:$0x0];
	s2 =	stileid.u32  }
0x10d: {  	s1 =	rddreg [dreg:$0x1];
	p0 =	sne.s32 s2, $0x0  }
0x10e: {  	s3 =	rddreg [dreg:$0x2];
	[bflag:$0x3] =	sbarrier.arrive $0xFFFF;
	s2 =	simm.s32 @!p0 $0x1C01  }
0x10f: {  	[timem:s3], [sflag:s2] =	dma.local @!p0 [hbm:s0], s1  }
0x110: {  	s0 =	simm.s32 @!p0 $0x1  }
0x111: {  	_ =	swait.ge @!p0 [sflag:s0], s1  }
0x112: {  	s1 =	ssub.s32 @!p0 $0x0, s1;
	[sflag:s0] =	ssyncset.done @!p0 $0x0  }
0x113: {  	[sflag:s0] =	ssyncadd.s32 @!p0 s1  }
0x114: {  	[bflag:$0x3] =	sbarrier.arrive $0xFFFF  }
0x115: {  	_ =	shalt  }

</sc_bundles>
